<compile_context>
chip_gen: v7x
topology: tpu7x:2x2x1
jax: 0.10.2.dev20260603
libtpu: 0.0.44.dev20260713+nightly
codegen_flags: <defaults>
</compile_context>

<pallas_src>
import functools

import jax
import jax.numpy as jnp
from jax import lax
from jax.experimental import pallas as pl
from jax.experimental.pallas import tpu as pltpu
from jax.experimental.pallas import tpu_sc as plsc

_INFO = plsc.get_sparse_core_info()
_NC = _INFO.num_cores
_NS = _INFO.num_subcores
_NW = _NC * _NS


def _chunk_sizes(per_worker, a, b):
  sizes = []
  left = per_worker
  while left > 0:
    want = a if len(sizes) % 2 == 0 else b
    sizes.append(min(want, left))
    left -= sizes[-1]
  return sizes


@functools.lru_cache(maxsize=None)
def _make_gather(batch, seq, D):
  assert (batch * seq) % _NW == 0
  per_worker = batch * seq // _NW
  assert seq % per_worker == 0
  wpr = seq // per_worker
  CA, CB = 64, 56
  sizes = _chunk_sizes(per_worker, CA, CB)
  offs = [sum(sizes[:j]) for j in range(len(sizes))]
  n_chunks = len(sizes)
  assert all(s % 8 == 0 and s <= 128 for s in sizes)
  mesh = plsc.VectorSubcoreMesh(core_axis_name="c", subcore_axis_name="s")

  @functools.partial(
      pl.kernel,
      out_type=jax.ShapeDtypeStruct((batch, seq, D), jnp.float32),
      mesh=mesh,
      scratch_types=[
          pltpu.VMEM((per_worker,), jnp.int32),
          pltpu.VMEM((CA, D), jnp.float32),
          pltpu.VMEM((CB, D), jnp.float32),
      ] + [pltpu.SemaphoreType.DMA] * 4,
  )
  def gather(ids_hbm, table_hbm, out_hbm, idx_v, rows_a, rows_b, g0, g1, s0,
             s1):
    rows = (rows_a, rows_b)
    gsem = (g0, g1)
    ssem = (s0, s1)
    wid = lax.axis_index("s") * _NC + lax.axis_index("c")
    r = wid // wpr
    c = (wid % wpr) * per_worker
    base = wid * per_worker

    head = sizes[0]
    pltpu.sync_copy(ids_hbm.at[pl.ds(base, head)], idx_v.at[pl.ds(0, head)])

    def fire_gather(j):
      b = j % 2
      dst = rows[b] if sizes[j] == rows[b].shape[0] else rows[b].at[
          pl.ds(0, sizes[j])]
      return pltpu.async_copy(
          table_hbm.at[idx_v.at[pl.ds(offs[j], sizes[j])]], dst, gsem[b])

    def fire_store(j):
      b = j % 2
      src = rows[b] if sizes[j] == rows[b].shape[0] else rows[b].at[
          pl.ds(0, sizes[j])]
      return pltpu.async_copy(
          src, out_hbm.at[r, pl.ds(c + offs[j], sizes[j])], ssem[b])

    gd = [None, None]
    sd = [None, None]
    gd[0] = fire_gather(0)
    if n_chunks > 1:
      pltpu.sync_copy(ids_hbm.at[pl.ds(base + head, per_worker - head)],
                      idx_v.at[pl.ds(head, per_worker - head)])
      gd[1] = fire_gather(1)
    for j in range(n_chunks):
      b = j % 2
      gd[b].wait()
      sd[b] = fire_store(j)
      if j + 2 < n_chunks:
        sd[b].wait()
        gd[b] = fire_gather(j + 2)
    for j in range(max(0, n_chunks - 2), n_chunks):
      sd[j % 2].wait()

  return gather


def kernel(position_ids, table):
  batch, seq = position_ids.shape
  ids = position_ids.reshape(-1).astype(jnp.int32)
  return _make_gather(batch, seq, table.shape[1])(ids, table)

# --- scband reference (transcript-rebuilt; emitter-appended) ---
"""Pipeline reference for scband-positional-embedding-9405978378790 (READ-ONLY COPY).

The authoritative reference and input builder live on the scoring server;
editing this copy changes nothing except your own understanding.
"""

import jax, jax.numpy as jnp
import numpy as np

MAX_POS = 8192
EMBED = 1024
BATCH = 4
SEQ = 4096

def setup_inputs(seed: int = 0) -> dict:
    key = jax.random.key(seed)
    k_ids, k_tab = jax.random.split(key)
    position_ids = jax.random.randint(k_ids, (BATCH, SEQ), 0, MAX_POS, dtype=jnp.int64 if jax.config.jax_enable_x64 else jnp.int32)
    table = jax.random.normal(k_tab, (MAX_POS, EMBED), dtype=jnp.float32) * 0.02
    return {"position_ids": position_ids, "table": table}

def reference(position_ids, table):
    # nn.Embedding lookup: gather rows of the table
    return jnp.take(table, position_ids, axis=0)

if __name__ == "__main__":
    import jax
    _d = setup_inputs()
    print(jax.jit(kernel)(*tuple(_d.values())))

</pallas_src>

<mosaic_0001>
#map = affine_map<(d0, d1) -> (0)>
#map1 = affine_map<(d0, d1) -> (0, 0)>
#map2 = affine_map<(d0, d1) -> (0, 0, 0)>
module attributes {stable_mosaic.version = 14 : i64} {
  func.func @gather(%arg0: i32, %arg1: i32, %arg2: memref<16384xi32, #tpu.memory_space<hbm>>, %arg3: memref<8192x1024xf32, #tpu.memory_space<hbm>>, %arg4: memref<4x4096x1024xf32, #tpu.memory_space<hbm>>, %arg5: memref<512xi32, #tpu.memory_space<vmem>>, %arg6: memref<64x1024xf32, #tpu.memory_space<vmem>>, %arg7: memref<56x1024xf32, #tpu.memory_space<vmem>>, %arg8: memref<!tpu.dma_semaphore, #tpu.memory_space<semaphore_mem>>, %arg9: memref<!tpu.dma_semaphore, #tpu.memory_space<semaphore_mem>>, %arg10: memref<!tpu.dma_semaphore, #tpu.memory_space<semaphore_mem>>, %arg11: memref<!tpu.dma_semaphore, #tpu.memory_space<semaphore_mem>>) attributes {dimension_semantics = [#tpu.dimension_semantics<core_parallel>, #tpu.dimension_semantics<subcore_parallel>], iteration_bounds = array<i64: 2, 16>, scalar_prefetch = 0 : i64, scratch_operands = 7 : i64, tpu.core_type = #tpu.core_type<sc_vector_subcore>, window_params = [{transform_indices = #map}, {transform_indices = #map1}, {transform_indices = #map2}]} {
    %mul3A = arith.constant 2 : i32
    %mul3A_0 = arith.muli %arg1, %mul3A : i32
    %add3A = arith.addi %mul3A_0, %arg0 : i32
    %jit3A = arith.constant 8 : i32
    %div3A = arith.divsi %add3A, %jit3A : i32
    %sign3A = arith.constant 0 : i32
    %sign3A_1 = arith.cmpi sgt, %add3A, %sign3A : i32
    %sign3A_2 = arith.extui %sign3A_1 : i1 to i32
    %sign3A_3 = arith.constant 0 : i32
    %sign3A_4 = arith.cmpi slt, %add3A, %sign3A_3 : i32
    %sign3A_5 = arith.extui %sign3A_4 : i1 to i32
    %sign3A_6 = arith.subi %sign3A_2, %sign3A_5 : i32
    %sign3A_7 = arith.constant 0 : i32
    %sign3A_8 = arith.cmpi sgt, %jit3A, %sign3A_7 : i32
    %sign3A_9 = arith.extui %sign3A_8 : i1 to i32
    %sign3A_10 = arith.constant 0 : i32
    %sign3A_11 = arith.cmpi slt, %jit3A, %sign3A_10 : i32
    %sign3A_12 = arith.extui %sign3A_11 : i1 to i32
    %sign3A_13 = arith.subi %sign3A_9, %sign3A_12 : i32
    %ne3A = arith.cmpi ne, %sign3A_6, %sign3A_13 : i32
    %rem3A = arith.remsi %add3A, %jit3A : i32
    %ne3A_14 = arith.constant 0 : i32
    %ne3A_15 = arith.cmpi ne, %rem3A, %ne3A_14 : i32
    %and3A = arith.andi %ne3A, %ne3A_15 : i1
    %sub3A = arith.constant 1 : i32
    %sub3A_16 = arith.subi %div3A, %sub3A : i32
    %select_n3A = arith.select %and3A, %sub3A_16, %div3A : i32
    %jit3A_17 = arith.constant 8 : i32
    %eq3A = arith.constant 0 : i32
    %eq3A_18 = arith.cmpi eq, %jit3A_17, %eq3A : i32
    %jit3A_19 = arith.constant 1 : i32
    %select_n3A_20 = arith.select %eq3A_18, %jit3A_19, %jit3A_17 : i32
    %rem3A_21 = arith.remsi %add3A, %select_n3A_20 : i32
    %ne3A_22 = arith.constant 0 : i32
    %ne3A_23 = arith.cmpi ne, %rem3A_21, %ne3A_22 : i32
    %lt3A = arith.constant 0 : i32
    %lt3A_24 = arith.cmpi slt, %rem3A_21, %lt3A : i32
    %lt3A_25 = arith.constant 0 : i32
    %lt3A_26 = arith.cmpi slt, %select_n3A_20, %lt3A_25 : i32
    %ne3A_27 = arith.xori %lt3A_24, %lt3A_26 : i1
    %and3A_28 = arith.andi %ne3A_27, %ne3A_23 : i1
    %add3A_29 = arith.addi %rem3A_21, %select_n3A_20 : i32
    %select_n3A_30 = arith.select %and3A_28, %add3A_29, %rem3A_21 : i32
    %mul3A_31 = arith.constant 512 : i32
    %mul3A_32 = arith.muli %select_n3A_30, %mul3A_31 : i32
    %mul3A_33 = arith.constant 512 : i32
    %mul3A_34 = arith.muli %add3A, %mul3A_33 : i32
    "tpu.region"() ({
      %run_scoped3A = tpu.sem_alloc : memref<!tpu.dma_semaphore, #tpu.memory_space<semaphore_mem>>
      %dma_start3A_269 = arith.constant 0 : i32
      %dma_start3A_270 = tpu.memref_slice %arg5[%dma_start3A_269] : memref<512xi32, #tpu.memory_space<vmem>> -> memref<64xi32, #tpu.memory_space<vmem>>
      %dma_start3A_271 = tpu.memref_slice %arg2[%mul3A_34] : memref<16384xi32, #tpu.memory_space<hbm>> -> memref<64xi32, #tpu.memory_space<hbm>>
      %dma_start3A_272 = arith.constant 0 : i32
      %dma_start3A_273 = tpu.memref_slice %arg5[%dma_start3A_272] : memref<512xi32, #tpu.memory_space<vmem>> -> memref<64xi32, #tpu.memory_space<vmem>>
      %dma_start3A_274 = tpu.memref_slice %arg2[%mul3A_34] : memref<16384xi32, #tpu.memory_space<hbm>> -> memref<64xi32, #tpu.memory_space<hbm>>
      tpu.enqueue_dma source(%dma_start3A_274 : memref<64xi32, #tpu.memory_space<hbm>>) target(%dma_start3A_273 : memref<64xi32, #tpu.memory_space<vmem>>) target_semaphore(%run_scoped3A : memref<!tpu.dma_semaphore, #tpu.memory_space<semaphore_mem>>)
      %dma_wait3A_275 = arith.constant 0 : i32
      %dma_wait3A_276 = tpu.memref_slice %arg5[%dma_wait3A_275] : memref<512xi32, #tpu.memory_space<vmem>> -> memref<64xi32, #tpu.memory_space<vmem>>
      %dma_wait3A_277 = tpu.memref_slice %arg2[%mul3A_34] : memref<16384xi32, #tpu.memory_space<hbm>> -> memref<64xi32, #tpu.memory_space<hbm>>
      %dma_wait3A_278 = arith.constant 0 : i32
      %dma_wait3A_279 = tpu.memref_slice %arg5[%dma_wait3A_278] : memref<512xi32, #tpu.memory_space<vmem>> -> memref<64xi32, #tpu.memory_space<vmem>>
      %dma_wait3A_280 = tpu.memref_slice %arg2[%mul3A_34] : memref<16384xi32, #tpu.memory_space<hbm>> -> memref<64xi32, #tpu.memory_space<hbm>>
      tpu.wait_dma2 semaphore(%run_scoped3A : memref<!tpu.dma_semaphore, #tpu.memory_space<semaphore_mem>>) src(%dma_wait3A_280 : memref<64xi32, #tpu.memory_space<hbm>>) dst(%dma_wait3A_279 : memref<64xi32, #tpu.memory_space<vmem>>)
      tpu.yield
    }) : () -> ()
    %dma_start3A = arith.constant 0 : i32
    %dma_start3A_35 = tpu.memref_slice %arg5[%dma_start3A] : memref<512xi32, #tpu.memory_space<vmem>> -> memref<64xi32, #tpu.memory_space<vmem>>
    %dma_start3A_36 = arith.constant 0 : i32
    %dma_start3A_37 = arith.constant 0 : i32
    %dma_start3A_38 = tpu.memref_slice %arg3[%dma_start3A_36, %dma_start3A_37] : memref<8192x1024xf32, #tpu.memory_space<hbm>> -> memref<8192x1024xf32, #tpu.memory_space<hbm>>
    tpu.enqueue_indirect_dma source(%dma_start3A_38 : memref<8192x1024xf32, #tpu.memory_space<hbm>>) target(%arg6 : memref<64x1024xf32, #tpu.memory_space<vmem>>) offsets(%dma_start3A_35 : memref<64xi32, #tpu.memory_space<vmem>>) semaphore(%arg8 : memref<!tpu.dma_semaphore, #tpu.memory_space<semaphore_mem>>)
    %add3A_39 = arith.constant 64 : i32
    %add3A_40 = arith.addi %mul3A_34, %add3A_39 : i32
    "tpu.region"() ({
      %run_scoped3A = tpu.sem_alloc : memref<!tpu.dma_semaphore, #tpu.memory_space<semaphore_mem>>
      %dma_start3A_269 = arith.constant 64 : i32
      %dma_start3A_270 = tpu.memref_slice %arg5[%dma_start3A_269] : memref<512xi32, #tpu.memory_space<vmem>> -> memref<448xi32, #tpu.memory_space<vmem>>
      %dma_start3A_271 = tpu.memref_slice %arg2[%add3A_40] : memref<16384xi32, #tpu.memory_space<hbm>> -> memref<448xi32, #tpu.memory_space<hbm>>
      %dma_start3A_272 = arith.constant 64 : i32
      %dma_start3A_273 = tpu.memref_slice %arg5[%dma_start3A_272] : memref<512xi32, #tpu.memory_space<vmem>> -> memref<448xi32, #tpu.memory_space<vmem>>
      %dma_start3A_274 = tpu.memref_slice %arg2[%add3A_40] : memref<16384xi32, #tpu.memory_space<hbm>> -> memref<448xi32, #tpu.memory_space<hbm>>
      tpu.enqueue_dma source(%dma_start3A_274 : memref<448xi32, #tpu.memory_space<hbm>>) target(%dma_start3A_273 : memref<448xi32, #tpu.memory_space<vmem>>) target_semaphore(%run_scoped3A : memref<!tpu.dma_semaphore, #tpu.memory_space<semaphore_mem>>)
      %dma_wait3A_275 = arith.constant 64 : i32
      %dma_wait3A_276 = tpu.memref_slice %arg5[%dma_wait3A_275] : memref<512xi32, #tpu.memory_space<vmem>> -> memref<448xi32, #tpu.memory_space<vmem>>
      %dma_wait3A_277 = tpu.memref_slice %arg2[%add3A_40] : memref<16384xi32, #tpu.memory_space<hbm>> -> memref<448xi32, #tpu.memory_space<hbm>>
      %dma_wait3A_278 = arith.constant 64 : i32
      %dma_wait3A_279 = tpu.memref_slice %arg5[%dma_wait3A_278] : memref<512xi32, #tpu.memory_space<vmem>> -> memref<448xi32, #tpu.memory_space<vmem>>
      %dma_wait3A_280 = tpu.memref_slice %arg2[%add3A_40] : memref<16384xi32, #tpu.memory_space<hbm>> -> memref<448xi32, #tpu.memory_space<hbm>>
      tpu.wait_dma2 semaphore(%run_scoped3A : memref<!tpu.dma_semaphore, #tpu.memory_space<semaphore_mem>>) src(%dma_wait3A_280 : memref<448xi32, #tpu.memory_space<hbm>>) dst(%dma_wait3A_279 : memref<448xi32, #tpu.memory_space<vmem>>)
      tpu.yield
    }) : () -> ()
    %dma_start3A_41 = arith.constant 64 : i32
    %dma_start3A_42 = tpu.memref_slice %arg5[%dma_start3A_41] : memref<512xi32, #tpu.memory_space<vmem>> -> memref<56xi32, #tpu.memory_space<vmem>>
    %dma_start3A_43 = arith.constant 0 : i32
    %dma_start3A_44 = arith.constant 0 : i32
    %dma_start3A_45 = tpu.memref_slice %arg3[%dma_start3A_43, %dma_start3A_44] : memref<8192x1024xf32, #tpu.memory_space<hbm>> -> memref<8192x1024xf32, #tpu.memory_space<hbm>>
    tpu.enqueue_indirect_dma source(%dma_start3A_45 : memref<8192x1024xf32, #tpu.memory_space<hbm>>) target(%arg7 : memref<56x1024xf32, #tpu.memory_space<vmem>>) offsets(%dma_start3A_42 : memref<56xi32, #tpu.memory_space<vmem>>) semaphore(%arg9 : memref<!tpu.dma_semaphore, #tpu.memory_space<semaphore_mem>>)
    %dma_wait3A = arith.constant 0 : i32
    %dma_wait3A_46 = tpu.memref_slice %arg5[%dma_wait3A] : memref<512xi32, #tpu.memory_space<vmem>> -> memref<64xi32, #tpu.memory_space<vmem>>
    %dma_wait3A_47 = arith.constant 0 : i32
    %dma_wait3A_48 = arith.constant 0 : i32
    %dma_wait3A_49 = tpu.memref_slice %arg3[%dma_wait3A_47, %dma_wait3A_48] : memref<8192x1024xf32, #tpu.memory_space<hbm>> -> memref<8192x1024xf32, #tpu.memory_space<hbm>>
    tpu.wait_indirect_dma semaphore(%arg8 : memref<!tpu.dma_semaphore, #tpu.memory_space<semaphore_mem>>) src(%dma_wait3A_49 : memref<8192x1024xf32, #tpu.memory_space<hbm>>) dst(%arg6 : memref<64x1024xf32, #tpu.memory_space<vmem>>)
    %add3A_50 = arith.constant 0 : i32
    %add3A_51 = arith.addi %mul3A_32, %add3A_50 : i32
    %dma_start3A_52 = arith.constant 0 : i32
    %dma_start3A_53 = tpu.memref_slice %arg4[%select_n3A, %add3A_51, %dma_start3A_52] : memref<4x4096x1024xf32, #tpu.memory_space<hbm>> -> memref<1x64x1024xf32, #tpu.memory_space<hbm>>
    %dma_start3A_54 = tpu.memref_squeeze %dma_start3A_53 : memref<1x64x1024xf32, #tpu.memory_space<hbm>> -> memref<64x1024xf32, #tpu.memory_space<hbm>>
    %dma_start3A_55 = arith.constant 0 : i32
    %dma_start3A_56 = tpu.memref_slice %arg4[%select_n3A, %add3A_51, %dma_start3A_55] : memref<4x4096x1024xf32, #tpu.memory_space<hbm>> -> memref<1x64x1024xf32, #tpu.memory_space<hbm>>
    %dma_start3A_57 = tpu.memref_squeeze %dma_start3A_56 : memref<1x64x1024xf32, #tpu.memory_space<hbm>> -> memref<64x1024xf32, #tpu.memory_space<hbm>>
    tpu.enqueue_dma source(%arg6 : memref<64x1024xf32, #tpu.memory_space<vmem>>) target(%dma_start3A_57 : memref<64x1024xf32, #tpu.memory_space<hbm>>) target_semaphore(%arg10 : memref<!tpu.dma_semaphore, #tpu.memory_space<semaphore_mem>>)
    %dma_wait3A_58 = arith.constant 0 : i32
    %dma_wait3A_59 = tpu.memref_slice %arg4[%select_n3A, %add3A_51, %dma_wait3A_58] : memref<4x4096x1024xf32, #tpu.memory_space<hbm>> -> memref<1x64x1024xf32, #tpu.memory_space<hbm>>
    %dma_wait3A_60 = tpu.memref_squeeze %dma_wait3A_59 : memref<1x64x1024xf32, #tpu.memory_space<hbm>> -> memref<64x1024xf32, #tpu.memory_space<hbm>>
    %dma_wait3A_61 = arith.constant 0 : i32
    %dma_wait3A_62 = tpu.memref_slice %arg4[%select_n3A, %add3A_51, %dma_wait3A_61] : memref<4x4096x1024xf32, #tpu.memory_space<hbm>> -> memref<1x64x1024xf32, #tpu.memory_space<hbm>>
    %dma_wait3A_63 = tpu.memref_squeeze %dma_wait3A_62 : memref<1x64x1024xf32, #tpu.memory_space<hbm>> -> memref<64x1024xf32, #tpu.memory_space<hbm>>
    tpu.wait_dma2 semaphore(%arg10 : memref<!tpu.dma_semaphore, #tpu.memory_space<semaphore_mem>>) src(%arg6 : memref<64x1024xf32, #tpu.memory_space<vmem>>) dst(%dma_wait3A_63 : memref<64x1024xf32, #tpu.memory_space<hbm>>)
    %dma_start3A_64 = arith.constant 120 : i32
    %dma_start3A_65 = tpu.memref_slice %arg5[%dma_start3A_64] : memref<512xi32, #tpu.memory_space<vmem>> -> memref<64xi32, #tpu.memory_space<vmem>>
    %dma_start3A_66 = arith.constant 0 : i32
    %dma_start3A_67 = arith.constant 0 : i32
    %dma_start3A_68 = tpu.memref_slice %arg3[%dma_start3A_66, %dma_start3A_67] : memref<8192x1024xf32, #tpu.memory_space<hbm>> -> memref<8192x1024xf32, #tpu.memory_space<hbm>>
    tpu.enqueue_indirect_dma source(%dma_start3A_68 : memref<8192x1024xf32, #tpu.memory_space<hbm>>) target(%arg6 : memref<64x1024xf32, #tpu.memory_space<vmem>>) offsets(%dma_start3A_65 : memref<64xi32, #tpu.memory_space<vmem>>) semaphore(%arg8 : memref<!tpu.dma_semaphore, #tpu.memory_space<semaphore_mem>>)
    %dma_wait3A_69 = arith.constant 64 : i32
    %dma_wait3A_70 = tpu.memref_slice %arg5[%dma_wait3A_69] : memref<512xi32, #tpu.memory_space<vmem>> -> memref<56xi32, #tpu.memory_space<vmem>>
    %dma_wait3A_71 = arith.constant 0 : i32
    %dma_wait3A_72 = arith.constant 0 : i32
    %dma_wait3A_73 = tpu.memref_slice %arg3[%dma_wait3A_71, %dma_wait3A_72] : memref<8192x1024xf32, #tpu.memory_space<hbm>> -> memref<8192x1024xf32, #tpu.memory_space<hbm>>
    tpu.wait_indirect_dma semaphore(%arg9 : memref<!tpu.dma_semaphore, #tpu.memory_space<semaphore_mem>>) src(%dma_wait3A_73 : memref<8192x1024xf32, #tpu.memory_space<hbm>>) dst(%arg7 : memref<56x1024xf32, #tpu.memory_space<vmem>>)
    %add3A_74 = arith.constant 64 : i32
    %add3A_75 = arith.addi %mul3A_32, %add3A_74 : i32
    %dma_start3A_76 = arith.constant 0 : i32
    %dma_start3A_77 = tpu.memref_slice %arg4[%select_n3A, %add3A_75, %dma_start3A_76] : memref<4x4096x1024xf32, #tpu.memory_space<hbm>> -> memref<1x56x1024xf32, #tpu.memory_space<hbm>>
    %dma_start3A_78 = tpu.memref_squeeze %dma_start3A_77 : memref<1x56x1024xf32, #tpu.memory_space<hbm>> -> memref<56x1024xf32, #tpu.memory_space<hbm>>
    %dma_start3A_79 = arith.constant 0 : i32
    %dma_start3A_80 = tpu.memref_slice %arg4[%select_n3A, %add3A_75, %dma_start3A_79] : memref<4x4096x1024xf32, #tpu.memory_space<hbm>> -> memref<1x56x1024xf32, #tpu.memory_space<hbm>>
    %dma_start3A_81 = tpu.memref_squeeze %dma_start3A_80 : memref<1x56x1024xf32, #tpu.memory_space<hbm>> -> memref<56x1024xf32, #tpu.memory_space<hbm>>
    tpu.enqueue_dma source(%arg7 : memref<56x1024xf32, #tpu.memory_space<vmem>>) target(%dma_start3A_81 : memref<56x1024xf32, #tpu.memory_space<hbm>>) target_semaphore(%arg11 : memref<!tpu.dma_semaphore, #tpu.memory_space<semaphore_mem>>)
    %dma_wait3A_82 = arith.constant 0 : i32
    %dma_wait3A_83 = tpu.memref_slice %arg4[%select_n3A, %add3A_75, %dma_wait3A_82] : memref<4x4096x1024xf32, #tpu.memory_space<hbm>> -> memref<1x56x1024xf32, #tpu.memory_space<hbm>>
    %dma_wait3A_84 = tpu.memref_squeeze %dma_wait3A_83 : memref<1x56x1024xf32, #tpu.memory_space<hbm>> -> memref<56x1024xf32, #tpu.memory_space<hbm>>
    %dma_wait3A_85 = arith.constant 0 : i32
    %dma_wait3A_86 = tpu.memref_slice %arg4[%select_n3A, %add3A_75, %dma_wait3A_85] : memref<4x4096x1024xf32, #tpu.memory_space<hbm>> -> memref<1x56x1024xf32, #tpu.memory_space<hbm>>
    %dma_wait3A_87 = tpu.memref_squeeze %dma_wait3A_86 : memref<1x56x1024xf32, #tpu.memory_space<hbm>> -> memref<56x1024xf32, #tpu.memory_space<hbm>>
    tpu.wait_dma2 semaphore(%arg11 : memref<!tpu.dma_semaphore, #tpu.memory_space<semaphore_mem>>) src(%arg7 : memref<56x1024xf32, #tpu.memory_space<vmem>>) dst(%dma_wait3A_87 : memref<56x1024xf32, #tpu.memory_space<hbm>>)
    %dma_start3A_88 = arith.constant 184 : i32
    %dma_start3A_89 = tpu.memref_slice %arg5[%dma_start3A_88] : memref<512xi32, #tpu.memory_space<vmem>> -> memref<56xi32, #tpu.memory_space<vmem>>
    %dma_start3A_90 = arith.constant 0 : i32
    %dma_start3A_91 = arith.constant 0 : i32
    %dma_start3A_92 = tpu.memref_slice %arg3[%dma_start3A_90, %dma_start3A_91] : memref<8192x1024xf32, #tpu.memory_space<hbm>> -> memref<8192x1024xf32, #tpu.memory_space<hbm>>
    tpu.enqueue_indirect_dma source(%dma_start3A_92 : memref<8192x1024xf32, #tpu.memory_space<hbm>>) target(%arg7 : memref<56x1024xf32, #tpu.memory_space<vmem>>) offsets(%dma_start3A_89 : memref<56xi32, #tpu.memory_space<vmem>>) semaphore(%arg9 : memref<!tpu.dma_semaphore, #tpu.memory_space<semaphore_mem>>)
    %dma_wait3A_93 = arith.constant 120 : i32
    %dma_wait3A_94 = tpu.memref_slice %arg5[%dma_wait3A_93] : memref<512xi32, #tpu.memory_space<vmem>> -> memref<64xi32, #tpu.memory_space<vmem>>
    %dma_wait3A_95 = arith.constant 0 : i32
    %dma_wait3A_96 = arith.constant 0 : i32
    %dma_wait3A_97 = tpu.memref_slice %arg3[%dma_wait3A_95, %dma_wait3A_96] : memref<8192x1024xf32, #tpu.memory_space<hbm>> -> memref<8192x1024xf32, #tpu.memory_space<hbm>>
    tpu.wait_indirect_dma semaphore(%arg8 : memref<!tpu.dma_semaphore, #tpu.memory_space<semaphore_mem>>) src(%dma_wait3A_97 : memref<8192x1024xf32, #tpu.memory_space<hbm>>) dst(%arg6 : memref<64x1024xf32, #tpu.memory_space<vmem>>)
    %add3A_98 = arith.constant 120 : i32
    %add3A_99 = arith.addi %mul3A_32, %add3A_98 : i32
    %dma_start3A_100 = arith.constant 0 : i32
    %dma_start3A_101 = tpu.memref_slice %arg4[%select_n3A, %add3A_99, %dma_start3A_100] : memref<4x4096x1024xf32, #tpu.memory_space<hbm>> -> memref<1x64x1024xf32, #tpu.memory_space<hbm>>
    %dma_start3A_102 = tpu.memref_squeeze %dma_start3A_101 : memref<1x64x1024xf32, #tpu.memory_space<hbm>> -> memref<64x1024xf32, #tpu.memory_space<hbm>>
    %dma_start3A_103 = arith.constant 0 : i32
    %dma_start3A_104 = tpu.memref_slice %arg4[%select_n3A, %add3A_99, %dma_start3A_103] : memref<4x4096x1024xf32, #tpu.memory_space<hbm>> -> memref<1x64x1024xf32, #tpu.memory_space<hbm>>
    %dma_start3A_105 = tpu.memref_squeeze %dma_start3A_104 : memref<1x64x1024xf32, #tpu.memory_space<hbm>> -> memref<64x1024xf32, #tpu.memory_space<hbm>>
    tpu.enqueue_dma source(%arg6 : memref<64x1024xf32, #tpu.memory_space<vmem>>) target(%dma_start3A_105 : memref<64x1024xf32, #tpu.memory_space<hbm>>) target_semaphore(%arg10 : memref<!tpu.dma_semaphore, #tpu.memory_space<semaphore_mem>>)
    %dma_wait3A_106 = arith.constant 0 : i32
    %dma_wait3A_107 = tpu.memref_slice %arg4[%select_n3A, %add3A_99, %dma_wait3A_106] : memref<4x4096x1024xf32, #tpu.memory_space<hbm>> -> memref<1x64x1024xf32, #tpu.memory_space<hbm>>
    %dma_wait3A_108 = tpu.memref_squeeze %dma_wait3A_107 : memref<1x64x1024xf32, #tpu.memory_space<hbm>> -> memref<64x1024xf32, #tpu.memory_space<hbm>>
    %dma_wait3A_109 = arith.constant 0 : i32
    %dma_wait3A_110 = tpu.memref_slice %arg4[%select_n3A, %add3A_99, %dma_wait3A_109] : memref<4x4096x1024xf32, #tpu.memory_space<hbm>> -> memref<1x64x1024xf32, #tpu.memory_space<hbm>>
    %dma_wait3A_111 = tpu.memref_squeeze %dma_wait3A_110 : memref<1x64x1024xf32, #tpu.memory_space<hbm>> -> memref<64x1024xf32, #tpu.memory_space<hbm>>
    tpu.wait_dma2 semaphore(%arg10 : memref<!tpu.dma_semaphore, #tpu.memory_space<semaphore_mem>>) src(%arg6 : memref<64x1024xf32, #tpu.memory_space<vmem>>) dst(%dma_wait3A_111 : memref<64x1024xf32, #tpu.memory_space<hbm>>)
    %dma_start3A_112 = arith.constant 240 : i32
    %dma_start3A_113 = tpu.memref_slice %arg5[%dma_start3A_112] : memref<512xi32, #tpu.memory_space<vmem>> -> memref<64xi32, #tpu.memory_space<vmem>>
    %dma_start3A_114 = arith.constant 0 : i32
    %dma_start3A_115 = arith.constant 0 : i32
    %dma_start3A_116 = tpu.memref_slice %arg3[%dma_start3A_114, %dma_start3A_115] : memref<8192x1024xf32, #tpu.memory_space<hbm>> -> memref<8192x1024xf32, #tpu.memory_space<hbm>>
    tpu.enqueue_indirect_dma source(%dma_start3A_116 : memref<8192x1024xf32, #tpu.memory_space<hbm>>) target(%arg6 : memref<64x1024xf32, #tpu.memory_space<vmem>>) offsets(%dma_start3A_113 : memref<64xi32, #tpu.memory_space<vmem>>) semaphore(%arg8 : memref<!tpu.dma_semaphore, #tpu.memory_space<semaphore_mem>>)
    %dma_wait3A_117 = arith.constant 184 : i32
    %dma_wait3A_118 = tpu.memref_slice %arg5[%dma_wait3A_117] : memref<512xi32, #tpu.memory_space<vmem>> -> memref<56xi32, #tpu.memory_space<vmem>>
    %dma_wait3A_119 = arith.constant 0 : i32
    %dma_wait3A_120 = arith.constant 0 : i32
    %dma_wait3A_121 = tpu.memref_slice %arg3[%dma_wait3A_119, %dma_wait3A_120] : memref<8192x1024xf32, #tpu.memory_space<hbm>> -> memref<8192x1024xf32, #tpu.memory_space<hbm>>
    tpu.wait_indirect_dma semaphore(%arg9 : memref<!tpu.dma_semaphore, #tpu.memory_space<semaphore_mem>>) src(%dma_wait3A_121 : memref<8192x1024xf32, #tpu.memory_space<hbm>>) dst(%arg7 : memref<56x1024xf32, #tpu.memory_space<vmem>>)
    %add3A_122 = arith.constant 184 : i32
    %add3A_123 = arith.addi %mul3A_32, %add3A_122 : i32
    %dma_start3A_124 = arith.constant 0 : i32
    %dma_start3A_125 = tpu.memref_slice %arg4[%select_n3A, %add3A_123, %dma_start3A_124] : memref<4x4096x1024xf32, #tpu.memory_space<hbm>> -> memref<1x56x1024xf32, #tpu.memory_space<hbm>>
    %dma_start3A_126 = tpu.memref_squeeze %dma_start3A_125 : memref<1x56x1024xf32, #tpu.memory_space<hbm>> -> memref<56x1024xf32, #tpu.memory_space<hbm>>
    %dma_start3A_127 = arith.constant 0 : i32
    %dma_start3A_128 = tpu.memref_slice %arg4[%select_n3A, %add3A_123, %dma_start3A_127] : memref<4x4096x1024xf32, #tpu.memory_space<hbm>> -> memref<1x56x1024xf32, #tpu.memory_space<hbm>>
    %dma_start3A_129 = tpu.memref_squeeze %dma_start3A_128 : memref<1x56x1024xf32, #tpu.memory_space<hbm>> -> memref<56x1024xf32, #tpu.memory_space<hbm>>
    tpu.enqueue_dma source(%arg7 : memref<56x1024xf32, #tpu.memory_space<vmem>>) target(%dma_start3A_129 : memref<56x1024xf32, #tpu.memory_space<hbm>>) target_semaphore(%arg11 : memref<!tpu.dma_semaphore, #tpu.memory_space<semaphore_mem>>)
    %dma_wait3A_130 = arith.constant 0 : i32
    %dma_wait3A_131 = tpu.memref_slice %arg4[%select_n3A, %add3A_123, %dma_wait3A_130] : memref<4x4096x1024xf32, #tpu.memory_space<hbm>> -> memref<1x56x1024xf32, #tpu.memory_space<hbm>>
    %dma_wait3A_132 = tpu.memref_squeeze %dma_wait3A_131 : memref<1x56x1024xf32, #tpu.memory_space<hbm>> -> memref<56x1024xf32, #tpu.memory_space<hbm>>
    %dma_wait3A_133 = arith.constant 0 : i32
    %dma_wait3A_134 = tpu.memref_slice %arg4[%select_n3A, %add3A_123, %dma_wait3A_133] : memref<4x4096x1024xf32, #tpu.memory_space<hbm>> -> memref<1x56x1024xf32, #tpu.memory_space<hbm>>
    %dma_wait3A_135 = tpu.memref_squeeze %dma_wait3A_134 : memref<1x56x1024xf32, #tpu.memory_space<hbm>> -> memref<56x1024xf32, #tpu.memory_space<hbm>>
    tpu.wait_dma2 semaphore(%arg11 : memref<!tpu.dma_semaphore, #tpu.memory_space<semaphore_mem>>) src(%arg7 : memref<56x1024xf32, #tpu.memory_space<vmem>>) dst(%dma_wait3A_135 : memref<56x1024xf32, #tpu.memory_space<hbm>>)
    %dma_start3A_136 = arith.constant 304 : i32
    %dma_start3A_137 = tpu.memref_slice %arg5[%dma_start3A_136] : memref<512xi32, #tpu.memory_space<vmem>> -> memref<56xi32, #tpu.memory_space<vmem>>
    %dma_start3A_138 = arith.constant 0 : i32
    %dma_start3A_139 = arith.constant 0 : i32
    %dma_start3A_140 = tpu.memref_slice %arg3[%dma_start3A_138, %dma_start3A_139] : memref<8192x1024xf32, #tpu.memory_space<hbm>> -> memref<8192x1024xf32, #tpu.memory_space<hbm>>
    tpu.enqueue_indirect_dma source(%dma_start3A_140 : memref<8192x1024xf32, #tpu.memory_space<hbm>>) target(%arg7 : memref<56x1024xf32, #tpu.memory_space<vmem>>) offsets(%dma_start3A_137 : memref<56xi32, #tpu.memory_space<vmem>>) semaphore(%arg9 : memref<!tpu.dma_semaphore, #tpu.memory_space<semaphore_mem>>)
    %dma_wait3A_141 = arith.constant 240 : i32
    %dma_wait3A_142 = tpu.memref_slice %arg5[%dma_wait3A_141] : memref<512xi32, #tpu.memory_space<vmem>> -> memref<64xi32, #tpu.memory_space<vmem>>
    %dma_wait3A_143 = arith.constant 0 : i32
    %dma_wait3A_144 = arith.constant 0 : i32
    %dma_wait3A_145 = tpu.memref_slice %arg3[%dma_wait3A_143, %dma_wait3A_144] : memref<8192x1024xf32, #tpu.memory_space<hbm>> -> memref<8192x1024xf32, #tpu.memory_space<hbm>>
    tpu.wait_indirect_dma semaphore(%arg8 : memref<!tpu.dma_semaphore, #tpu.memory_space<semaphore_mem>>) src(%dma_wait3A_145 : memref<8192x1024xf32, #tpu.memory_space<hbm>>) dst(%arg6 : memref<64x1024xf32, #tpu.memory_space<vmem>>)
    %add3A_146 = arith.constant 240 : i32
    %add3A_147 = arith.addi %mul3A_32, %add3A_146 : i32
    %dma_start3A_148 = arith.constant 0 : i32
    %dma_start3A_149 = tpu.memref_slice %arg4[%select_n3A, %add3A_147, %dma_start3A_148] : memref<4x4096x1024xf32, #tpu.memory_space<hbm>> -> memref<1x64x1024xf32, #tpu.memory_space<hbm>>
    %dma_start3A_150 = tpu.memref_squeeze %dma_start3A_149 : memref<1x64x1024xf32, #tpu.memory_space<hbm>> -> memref<64x1024xf32, #tpu.memory_space<hbm>>
    %dma_start3A_151 = arith.constant 0 : i32
    %dma_start3A_152 = tpu.memref_slice %arg4[%select_n3A, %add3A_147, %dma_start3A_151] : memref<4x4096x1024xf32, #tpu.memory_space<hbm>> -> memref<1x64x1024xf32, #tpu.memory_space<hbm>>
    %dma_start3A_153 = tpu.memref_squeeze %dma_start3A_152 : memref<1x64x1024xf32, #tpu.memory_space<hbm>> -> memref<64x1024xf32, #tpu.memory_space<hbm>>
    tpu.enqueue_dma source(%arg6 : memref<64x1024xf32, #tpu.memory_space<vmem>>) target(%dma_start3A_153 : memref<64x1024xf32, #tpu.memory_space<hbm>>) target_semaphore(%arg10 : memref<!tpu.dma_semaphore, #tpu.memory_space<semaphore_mem>>)
    %dma_wait3A_154 = arith.constant 0 : i32
    %dma_wait3A_155 = tpu.memref_slice %arg4[%select_n3A, %add3A_147, %dma_wait3A_154] : memref<4x4096x1024xf32, #tpu.memory_space<hbm>> -> memref<1x64x1024xf32, #tpu.memory_space<hbm>>
    %dma_wait3A_156 = tpu.memref_squeeze %dma_wait3A_155 : memref<1x64x1024xf32, #tpu.memory_space<hbm>> -> memref<64x1024xf32, #tpu.memory_space<hbm>>
    %dma_wait3A_157 = arith.constant 0 : i32
    %dma_wait3A_158 = tpu.memref_slice %arg4[%select_n3A, %add3A_147, %dma_wait3A_157] : memref<4x4096x1024xf32, #tpu.memory_space<hbm>> -> memref<1x64x1024xf32, #tpu.memory_space<hbm>>
    %dma_wait3A_159 = tpu.memref_squeeze %dma_wait3A_158 : memref<1x64x1024xf32, #tpu.memory_space<hbm>> -> memref<64x1024xf32, #tpu.memory_space<hbm>>
    tpu.wait_dma2 semaphore(%arg10 : memref<!tpu.dma_semaphore, #tpu.memory_space<semaphore_mem>>) src(%arg6 : memref<64x1024xf32, #tpu.memory_space<vmem>>) dst(%dma_wait3A_159 : memref<64x1024xf32, #tpu.memory_space<hbm>>)
    %dma_start3A_160 = arith.constant 360 : i32
    %dma_start3A_161 = tpu.memref_slice %arg5[%dma_start3A_160] : memref<512xi32, #tpu.memory_space<vmem>> -> memref<64xi32, #tpu.memory_space<vmem>>
    %dma_start3A_162 = arith.constant 0 : i32
    %dma_start3A_163 = arith.constant 0 : i32
    %dma_start3A_164 = tpu.memref_slice %arg3[%dma_start3A_162, %dma_start3A_163] : memref<8192x1024xf32, #tpu.memory_space<hbm>> -> memref<8192x1024xf32, #tpu.memory_space<hbm>>
    tpu.enqueue_indirect_dma source(%dma_start3A_164 : memref<8192x1024xf32, #tpu.memory_space<hbm>>) target(%arg6 : memref<64x1024xf32, #tpu.memory_space<vmem>>) offsets(%dma_start3A_161 : memref<64xi32, #tpu.memory_space<vmem>>) semaphore(%arg8 : memref<!tpu.dma_semaphore, #tpu.memory_space<semaphore_mem>>)
    %dma_wait3A_165 = arith.constant 304 : i32
    %dma_wait3A_166 = tpu.memref_slice %arg5[%dma_wait3A_165] : memref<512xi32, #tpu.memory_space<vmem>> -> memref<56xi32, #tpu.memory_space<vmem>>
    %dma_wait3A_167 = arith.constant 0 : i32
    %dma_wait3A_168 = arith.constant 0 : i32
    %dma_wait3A_169 = tpu.memref_slice %arg3[%dma_wait3A_167, %dma_wait3A_168] : memref<8192x1024xf32, #tpu.memory_space<hbm>> -> memref<8192x1024xf32, #tpu.memory_space<hbm>>
    tpu.wait_indirect_dma semaphore(%arg9 : memref<!tpu.dma_semaphore, #tpu.memory_space<semaphore_mem>>) src(%dma_wait3A_169 : memref<8192x1024xf32, #tpu.memory_space<hbm>>) dst(%arg7 : memref<56x1024xf32, #tpu.memory_space<vmem>>)
    %add3A_170 = arith.constant 304 : i32
    %add3A_171 = arith.addi %mul3A_32, %add3A_170 : i32
    %dma_start3A_172 = arith.constant 0 : i32
    %dma_start3A_173 = tpu.memref_slice %arg4[%select_n3A, %add3A_171, %dma_start3A_172] : memref<4x4096x1024xf32, #tpu.memory_space<hbm>> -> memref<1x56x1024xf32, #tpu.memory_space<hbm>>
    %dma_start3A_174 = tpu.memref_squeeze %dma_start3A_173 : memref<1x56x1024xf32, #tpu.memory_space<hbm>> -> memref<56x1024xf32, #tpu.memory_space<hbm>>
    %dma_start3A_175 = arith.constant 0 : i32
    %dma_start3A_176 = tpu.memref_slice %arg4[%select_n3A, %add3A_171, %dma_start3A_175] : memref<4x4096x1024xf32, #tpu.memory_space<hbm>> -> memref<1x56x1024xf32, #tpu.memory_space<hbm>>
    %dma_start3A_177 = tpu.memref_squeeze %dma_start3A_176 : memref<1x56x1024xf32, #tpu.memory_space<hbm>> -> memref<56x1024xf32, #tpu.memory_space<hbm>>
    tpu.enqueue_dma source(%arg7 : memref<56x1024xf32, #tpu.memory_space<vmem>>) target(%dma_start3A_177 : memref<56x1024xf32, #tpu.memory_space<hbm>>) target_semaphore(%arg11 : memref<!tpu.dma_semaphore, #tpu.memory_space<semaphore_mem>>)
    %dma_wait3A_178 = arith.constant 0 : i32
    %dma_wait3A_179 = tpu.memref_slice %arg4[%select_n3A, %add3A_171, %dma_wait3A_178] : memref<4x4096x1024xf32, #tpu.memory_space<hbm>> -> memref<1x56x1024xf32, #tpu.memory_space<hbm>>
    %dma_wait3A_180 = tpu.memref_squeeze %dma_wait3A_179 : memref<1x56x1024xf32, #tpu.memory_space<hbm>> -> memref<56x1024xf32, #tpu.memory_space<hbm>>
    %dma_wait3A_181 = arith.constant 0 : i32
    %dma_wait3A_182 = tpu.memref_slice %arg4[%select_n3A, %add3A_171, %dma_wait3A_181] : memref<4x4096x1024xf32, #tpu.memory_space<hbm>> -> memref<1x56x1024xf32, #tpu.memory_space<hbm>>
    %dma_wait3A_183 = tpu.memref_squeeze %dma_wait3A_182 : memref<1x56x1024xf32, #tpu.memory_space<hbm>> -> memref<56x1024xf32, #tpu.memory_space<hbm>>
    tpu.wait_dma2 semaphore(%arg11 : memref<!tpu.dma_semaphore, #tpu.memory_space<semaphore_mem>>) src(%arg7 : memref<56x1024xf32, #tpu.memory_space<vmem>>) dst(%dma_wait3A_183 : memref<56x1024xf32, #tpu.memory_space<hbm>>)
    %dma_start3A_184 = arith.constant 424 : i32
    %dma_start3A_185 = tpu.memref_slice %arg5[%dma_start3A_184] : memref<512xi32, #tpu.memory_space<vmem>> -> memref<56xi32, #tpu.memory_space<vmem>>
    %dma_start3A_186 = arith.constant 0 : i32
    %dma_start3A_187 = arith.constant 0 : i32
    %dma_start3A_188 = tpu.memref_slice %arg3[%dma_start3A_186, %dma_start3A_187] : memref<8192x1024xf32, #tpu.memory_space<hbm>> -> memref<8192x1024xf32, #tpu.memory_space<hbm>>
    tpu.enqueue_indirect_dma source(%dma_start3A_188 : memref<8192x1024xf32, #tpu.memory_space<hbm>>) target(%arg7 : memref<56x1024xf32, #tpu.memory_space<vmem>>) offsets(%dma_start3A_185 : memref<56xi32, #tpu.memory_space<vmem>>) semaphore(%arg9 : memref<!tpu.dma_semaphore, #tpu.memory_space<semaphore_mem>>)
    %dma_wait3A_189 = arith.constant 360 : i32
    %dma_wait3A_190 = tpu.memref_slice %arg5[%dma_wait3A_189] : memref<512xi32, #tpu.memory_space<vmem>> -> memref<64xi32, #tpu.memory_space<vmem>>
    %dma_wait3A_191 = arith.constant 0 : i32
    %dma_wait3A_192 = arith.constant 0 : i32
    %dma_wait3A_193 = tpu.memref_slice %arg3[%dma_wait3A_191, %dma_wait3A_192] : memref<8192x1024xf32, #tpu.memory_space<hbm>> -> memref<8192x1024xf32, #tpu.memory_space<hbm>>
    tpu.wait_indirect_dma semaphore(%arg8 : memref<!tpu.dma_semaphore, #tpu.memory_space<semaphore_mem>>) src(%dma_wait3A_193 : memref<8192x1024xf32, #tpu.memory_space<hbm>>) dst(%arg6 : memref<64x1024xf32, #tpu.memory_space<vmem>>)
    %add3A_194 = arith.constant 360 : i32
    %add3A_195 = arith.addi %mul3A_32, %add3A_194 : i32
    %dma_start3A_196 = arith.constant 0 : i32
    %dma_start3A_197 = tpu.memref_slice %arg4[%select_n3A, %add3A_195, %dma_start3A_196] : memref<4x4096x1024xf32, #tpu.memory_space<hbm>> -> memref<1x64x1024xf32, #tpu.memory_space<hbm>>
    %dma_start3A_198 = tpu.memref_squeeze %dma_start3A_197 : memref<1x64x1024xf32, #tpu.memory_space<hbm>> -> memref<64x1024xf32, #tpu.memory_space<hbm>>
    %dma_start3A_199 = arith.constant 0 : i32
    %dma_start3A_200 = tpu.memref_slice %arg4[%select_n3A, %add3A_195, %dma_start3A_199] : memref<4x4096x1024xf32, #tpu.memory_space<hbm>> -> memref<1x64x1024xf32, #tpu.memory_space<hbm>>
    %dma_start3A_201 = tpu.memref_squeeze %dma_start3A_200 : memref<1x64x1024xf32, #tpu.memory_space<hbm>> -> memref<64x1024xf32, #tpu.memory_space<hbm>>
    tpu.enqueue_dma source(%arg6 : memref<64x1024xf32, #tpu.memory_space<vmem>>) target(%dma_start3A_201 : memref<64x1024xf32, #tpu.memory_space<hbm>>) target_semaphore(%arg10 : memref<!tpu.dma_semaphore, #tpu.memory_space<semaphore_mem>>)
    %dma_wait3A_202 = arith.constant 0 : i32
    %dma_wait3A_203 = tpu.memref_slice %arg4[%select_n3A, %add3A_195, %dma_wait3A_202] : memref<4x4096x1024xf32, #tpu.memory_space<hbm>> -> memref<1x64x1024xf32, #tpu.memory_space<hbm>>
    %dma_wait3A_204 = tpu.memref_squeeze %dma_wait3A_203 : memref<1x64x1024xf32, #tpu.memory_space<hbm>> -> memref<64x1024xf32, #tpu.memory_space<hbm>>
    %dma_wait3A_205 = arith.constant 0 : i32
    %dma_wait3A_206 = tpu.memref_slice %arg4[%select_n3A, %add3A_195, %dma_wait3A_205] : memref<4x4096x1024xf32, #tpu.memory_space<hbm>> -> memref<1x64x1024xf32, #tpu.memory_space<hbm>>
    %dma_wait3A_207 = tpu.memref_squeeze %dma_wait3A_206 : memref<1x64x1024xf32, #tpu.memory_space<hbm>> -> memref<64x1024xf32, #tpu.memory_space<hbm>>
    tpu.wait_dma2 semaphore(%arg10 : memref<!tpu.dma_semaphore, #tpu.memory_space<semaphore_mem>>) src(%arg6 : memref<64x1024xf32, #tpu.memory_space<vmem>>) dst(%dma_wait3A_207 : memref<64x1024xf32, #tpu.memory_space<hbm>>)
    %dma_start3A_208 = arith.constant 0 : i32
    %dma_start3A_209 = arith.constant 0 : i32
    %dma_start3A_210 = tpu.memref_slice %arg6[%dma_start3A_208, %dma_start3A_209] : memref<64x1024xf32, #tpu.memory_space<vmem>> -> memref<32x1024xf32, #tpu.memory_space<vmem>>
    %dma_start3A_211 = arith.constant 480 : i32
    %dma_start3A_212 = tpu.memref_slice %arg5[%dma_start3A_211] : memref<512xi32, #tpu.memory_space<vmem>> -> memref<32xi32, #tpu.memory_space<vmem>>
    %dma_start3A_213 = arith.constant 0 : i32
    %dma_start3A_214 = arith.constant 0 : i32
    %dma_start3A_215 = tpu.memref_slice %arg3[%dma_start3A_213, %dma_start3A_214] : memref<8192x1024xf32, #tpu.memory_space<hbm>> -> memref<8192x1024xf32, #tpu.memory_space<hbm>>
    tpu.enqueue_indirect_dma source(%dma_start3A_215 : memref<8192x1024xf32, #tpu.memory_space<hbm>>) target(%dma_start3A_210 : memref<32x1024xf32, #tpu.memory_space<vmem>>) offsets(%dma_start3A_212 : memref<32xi32, #tpu.memory_space<vmem>>) semaphore(%arg8 : memref<!tpu.dma_semaphore, #tpu.memory_space<semaphore_mem>>)
    %dma_wait3A_216 = arith.constant 424 : i32
    %dma_wait3A_217 = tpu.memref_slice %arg5[%dma_wait3A_216] : memref<512xi32, #tpu.memory_space<vmem>> -> memref<56xi32, #tpu.memory_space<vmem>>
    %dma_wait3A_218 = arith.constant 0 : i32
    %dma_wait3A_219 = arith.constant 0 : i32
    %dma_wait3A_220 = tpu.memref_slice %arg3[%dma_wait3A_218, %dma_wait3A_219] : memref<8192x1024xf32, #tpu.memory_space<hbm>> -> memref<8192x1024xf32, #tpu.memory_space<hbm>>
    tpu.wait_indirect_dma semaphore(%arg9 : memref<!tpu.dma_semaphore, #tpu.memory_space<semaphore_mem>>) src(%dma_wait3A_220 : memref<8192x1024xf32, #tpu.memory_space<hbm>>) dst(%arg7 : memref<56x1024xf32, #tpu.memory_space<vmem>>)
    %add3A_221 = arith.constant 424 : i32
    %add3A_222 = arith.addi %mul3A_32, %add3A_221 : i32
    %dma_start3A_223 = arith.constant 0 : i32
    %dma_start3A_224 = tpu.memref_slice %arg4[%select_n3A, %add3A_222, %dma_start3A_223] : memref<4x4096x1024xf32, #tpu.memory_space<hbm>> -> memref<1x56x1024xf32, #tpu.memory_space<hbm>>
    %dma_start3A_225 = tpu.memref_squeeze %dma_start3A_224 : memref<1x56x1024xf32, #tpu.memory_space<hbm>> -> memref<56x1024xf32, #tpu.memory_space<hbm>>
    %dma_start3A_226 = arith.constant 0 : i32
    %dma_start3A_227 = tpu.memref_slice %arg4[%select_n3A, %add3A_222, %dma_start3A_226] : memref<4x4096x1024xf32, #tpu.memory_space<hbm>> -> memref<1x56x1024xf32, #tpu.memory_space<hbm>>
    %dma_start3A_228 = tpu.memref_squeeze %dma_start3A_227 : memref<1x56x1024xf32, #tpu.memory_space<hbm>> -> memref<56x1024xf32, #tpu.memory_space<hbm>>
    tpu.enqueue_dma source(%arg7 : memref<56x1024xf32, #tpu.memory_space<vmem>>) target(%dma_start3A_228 : memref<56x1024xf32, #tpu.memory_space<hbm>>) target_semaphore(%arg11 : memref<!tpu.dma_semaphore, #tpu.memory_space<semaphore_mem>>)
    %dma_wait3A_229 = arith.constant 0 : i32
    %dma_wait3A_230 = arith.constant 0 : i32
    %dma_wait3A_231 = tpu.memref_slice %arg6[%dma_wait3A_229, %dma_wait3A_230] : memref<64x1024xf32, #tpu.memory_space<vmem>> -> memref<32x1024xf32, #tpu.memory_space<vmem>>
    %dma_wait3A_232 = arith.constant 480 : i32
    %dma_wait3A_233 = tpu.memref_slice %arg5[%dma_wait3A_232] : memref<512xi32, #tpu.memory_space<vmem>> -> memref<32xi32, #tpu.memory_space<vmem>>
    %dma_wait3A_234 = arith.constant 0 : i32
    %dma_wait3A_235 = arith.constant 0 : i32
    %dma_wait3A_236 = tpu.memref_slice %arg3[%dma_wait3A_234, %dma_wait3A_235] : memref<8192x1024xf32, #tpu.memory_space<hbm>> -> memref<8192x1024xf32, #tpu.memory_space<hbm>>
    tpu.wait_indirect_dma semaphore(%arg8 : memref<!tpu.dma_semaphore, #tpu.memory_space<semaphore_mem>>) src(%dma_wait3A_236 : memref<8192x1024xf32, #tpu.memory_space<hbm>>) dst(%dma_wait3A_231 : memref<32x1024xf32, #tpu.memory_space<vmem>>)
    %add3A_237 = arith.constant 480 : i32
    %add3A_238 = arith.addi %mul3A_32, %add3A_237 : i32
    %dma_start3A_239 = arith.constant 0 : i32
    %dma_start3A_240 = arith.constant 0 : i32
    %dma_start3A_241 = tpu.memref_slice %arg6[%dma_start3A_239, %dma_start3A_240] : memref<64x1024xf32, #tpu.memory_space<vmem>> -> memref<32x1024xf32, #tpu.memory_space<vmem>>
    %dma_start3A_242 = arith.constant 0 : i32
    %dma_start3A_243 = tpu.memref_slice %arg4[%select_n3A, %add3A_238, %dma_start3A_242] : memref<4x4096x1024xf32, #tpu.memory_space<hbm>> -> memref<1x32x1024xf32, #tpu.memory_space<hbm>>
    %dma_start3A_244 = tpu.memref_squeeze %dma_start3A_243 : memref<1x32x1024xf32, #tpu.memory_space<hbm>> -> memref<32x1024xf32, #tpu.memory_space<hbm>>
    %dma_start3A_245 = arith.constant 0 : i32
    %dma_start3A_246 = tpu.memref_slice %arg4[%select_n3A, %add3A_238, %dma_start3A_245] : memref<4x4096x1024xf32, #tpu.memory_space<hbm>> -> memref<1x32x1024xf32, #tpu.memory_space<hbm>>
    %dma_start3A_247 = tpu.memref_squeeze %dma_start3A_246 : memref<1x32x1024xf32, #tpu.memory_space<hbm>> -> memref<32x1024xf32, #tpu.memory_space<hbm>>
    %dma_start3A_248 = arith.constant 0 : i32
    %dma_start3A_249 = arith.constant 0 : i32
    %dma_start3A_250 = tpu.memref_slice %arg6[%dma_start3A_248, %dma_start3A_249] : memref<64x1024xf32, #tpu.memory_space<vmem>> -> memref<32x1024xf32, #tpu.memory_space<vmem>>
    tpu.enqueue_dma source(%dma_start3A_250 : memref<32x1024xf32, #tpu.memory_space<vmem>>) target(%dma_start3A_247 : memref<32x1024xf32, #tpu.memory_space<hbm>>) target_semaphore(%arg10 : memref<!tpu.dma_semaphore, #tpu.memory_space<semaphore_mem>>)
    %dma_wait3A_251 = arith.constant 0 : i32
    %dma_wait3A_252 = tpu.memref_slice %arg4[%select_n3A, %add3A_222, %dma_wait3A_251] : memref<4x4096x1024xf32, #tpu.memory_space<hbm>> -> memref<1x56x1024xf32, #tpu.memory_space<hbm>>
    %dma_wait3A_253 = tpu.memref_squeeze %dma_wait3A_252 : memref<1x56x1024xf32, #tpu.memory_space<hbm>> -> memref<56x1024xf32, #tpu.memory_space<hbm>>
    %dma_wait3A_254 = arith.constant 0 : i32
    %dma_wait3A_255 = tpu.memref_slice %arg4[%select_n3A, %add3A_222, %dma_wait3A_254] : memref<4x4096x1024xf32, #tpu.memory_space<hbm>> -> memref<1x56x1024xf32, #tpu.memory_space<hbm>>
    %dma_wait3A_256 = tpu.memref_squeeze %dma_wait3A_255 : memref<1x56x1024xf32, #tpu.memory_space<hbm>> -> memref<56x1024xf32, #tpu.memory_space<hbm>>
    tpu.wait_dma2 semaphore(%arg11 : memref<!tpu.dma_semaphore, #tpu.memory_space<semaphore_mem>>) src(%arg7 : memref<56x1024xf32, #tpu.memory_space<vmem>>) dst(%dma_wait3A_256 : memref<56x1024xf32, #tpu.memory_space<hbm>>)
    %dma_wait3A_257 = arith.constant 0 : i32
    %dma_wait3A_258 = arith.constant 0 : i32
    %dma_wait3A_259 = tpu.memref_slice %arg6[%dma_wait3A_257, %dma_wait3A_258] : memref<64x1024xf32, #tpu.memory_space<vmem>> -> memref<32x1024xf32, #tpu.memory_space<vmem>>
    %dma_wait3A_260 = arith.constant 0 : i32
    %dma_wait3A_261 = tpu.memref_slice %arg4[%select_n3A, %add3A_238, %dma_wait3A_260] : memref<4x4096x1024xf32, #tpu.memory_space<hbm>> -> memref<1x32x1024xf32, #tpu.memory_space<hbm>>
    %dma_wait3A_262 = tpu.memref_squeeze %dma_wait3A_261 : memref<1x32x1024xf32, #tpu.memory_space<hbm>> -> memref<32x1024xf32, #tpu.memory_space<hbm>>
    %dma_wait3A_263 = arith.constant 0 : i32
    %dma_wait3A_264 = tpu.memref_slice %arg4[%select_n3A, %add3A_238, %dma_wait3A_263] : memref<4x4096x1024xf32, #tpu.memory_space<hbm>> -> memref<1x32x1024xf32, #tpu.memory_space<hbm>>
    %dma_wait3A_265 = tpu.memref_squeeze %dma_wait3A_264 : memref<1x32x1024xf32, #tpu.memory_space<hbm>> -> memref<32x1024xf32, #tpu.memory_space<hbm>>
    %dma_wait3A_266 = arith.constant 0 : i32
    %dma_wait3A_267 = arith.constant 0 : i32
    %dma_wait3A_268 = tpu.memref_slice %arg6[%dma_wait3A_266, %dma_wait3A_267] : memref<64x1024xf32, #tpu.memory_space<vmem>> -> memref<32x1024xf32, #tpu.memory_space<vmem>>
    tpu.wait_dma2 semaphore(%arg10 : memref<!tpu.dma_semaphore, #tpu.memory_space<semaphore_mem>>) src(%dma_wait3A_268 : memref<32x1024xf32, #tpu.memory_space<vmem>>) dst(%dma_wait3A_265 : memref<32x1024xf32, #tpu.memory_space<hbm>>)
    return
  }
}

</mosaic_0001>

<sc_bundles>
// kernel: kernel.3.cloned.1.call-start
scs
__scs_entry_jumppad:
0x0: {  	(pc) =	sbr.rel $0x88, $3  }
0x1: {  	(tag) =	ssettag $0x0;
	lr =	simm.s32 $0x1  }
0x2: {  	[smem:$0x3F9F] =	sst lr;
	_ =	strace $0xD0000000  }
0x3: {  	_ = 	snop  }
0x4: {  	_ = 	snop  }
0x5: {  	_ = 	snop  }
0x6: {  	_ = 	snop  }
0x7: {  	_ = 	snop  }
__scs_overlays_trampoline_lowered:
0x8: {  	[smem:$0x3FAE] =	sst s0  }
0x9: {  	[smem:$0x3FAF] =	sst s1  }
0xa: {  	[smem:$0x3FB0] =	sst s2  }
0xb: {  	[smem:$0x3FB1] =	sst s3  }
0xc: {  	[smem:$0x3FB2] =	sst s4  }
0xd: {  	[smem:$0x3FB3] =	sst s5  }
0xe: {  	[smem:$0x3FB4] =	sst s6  }
0xf: {  	[smem:$0x3FB5] =	sst s7  }
0x10: {  	[smem:$0x3FB6] =	sst s8  }
0x11: {  	[smem:$0x3FB7] =	sst s9;
	s0 =	simm.s32 @!p0 $0x0  }
0x12: {  	s1 =	sld [smem:$0x3F9D];
	s0 =	simm.s32 @p0 $0x1  }
0x13: {  	[smem:$0x3FB8] =	sst s0;
	s0 =	simm.s32 @!p1 $0x0  }
0x14: {  	s2 =	sld [smem:$0x3F9C];
	s0 =	simm.s32 @p1 $0x1  }
0x15: {  	[smem:$0x3FB9] =	sst s0;
	s0 =	simm.s32 @!p2 $0x0  }
0x16: {  	s3 =	sld [smem:$0x3FDB];
	s0 =	simm.s32 @p2 $0x1  }
0x17: {  	s4 =	simm.s32 $0x1BF5;
	[smem:$0x3FBB] =	sst s0  }
0x18: {  	s0 =	sld [smem:$0x3F9E];
	_ =	swait.ge [sflag:s4], $0x0  }
0x19: {  	s7 =	sld [smem:$0x3F9F]  }
0x1a: {  	s8 =	sadd.s32 $0xFFFFE003, lr  }
0x1b: {  	s9 =	sadd.s32 $0xFFFFFEF7, lr;
	s5 =	simm.s32 $0xFFFFFFFF;
	p2 =	slt.u32 s8, $0xFFFFF086  }
0x1c: {  	p1 =	slt.u32 s9, $0xF7A;
	s5 =	simm.s32 @!p2 $0x0  }
0x1d: {  	s5 =	simm.s32 @p1 $0x1;
	p0 =	seq.s32 s7, s2  }
0x1e: {  	s7 =	smul.u32 @!p0 $0xF7A, s2;
	p2 =	seq.s32 @!p0 s5, $0x0  }
0x1f: {  	s9 =	smul.u32 $0xF7A, s1;
	s8 =	simm.s32 @!p0 $0x1BF5;
	p2 =	por !p2, p0  }
0x20: {  	[sflag:s8] =	ssyncset.s32 @!p0 $0xFFFFF086;
	s6 =	sadd.s32 @!p0 s3, s7;
	s7 =	simm.s32 @!p0 $0x108  }
0x21: {  	s3 =	sadd.s32 s3, s9;
	s6 =	sadd.s32 @!p0 $0x88, s6;
	s7 =	simm.s32 @p2 $0x1082  }
0x22: {  	[simem:s7], [sflag:s8] =	dma.local @!p0 [hbm:s6], $0xF7A  }
0x23: {  	s9 =	sor.u32 $0xD0000000, s2;
	s6 =	simm.s32 $0x108;
	_ =	swait.ge @!p0 [sflag:s8], $0x0  }
0x24: {  	s3 =	sadd.s32 $0x88, s3;
	s6 =	simm.s32 @!p1 $0x1082;
	[sflag:s4] =	ssyncset.s32 $0xFFFFF086  }
0x25: {  	[simem:s6], [sflag:s4] =	dma.local [hbm:s3], $0xF7A  }
0x26: {  	[smem:$0x3F9F] =	sst s1;
	(tag) =	ssettag s2;
	_ =	strace s9  }
0x27: {  	s1 =	sld [smem:$0x3FAF]  }
0x28: {  	s2 =	sld [smem:$0x3FB0]  }
0x29: {  	s4 =	sld [smem:$0x3FB2]  }
0x2a: {  	p0 =	seq.s32 s5, $0x0;
	s5 =	sld [smem:$0x3FB3]  }
0x2b: {  	s6 =	sld [smem:$0x3FB4]  }
0x2c: {  	s7 =	sld [smem:$0x3FB5]  }
0x2d: {  	s3 =	simm.s32 $0x108;
	s8 =	sld [smem:$0x3FB6]  }
0x2e: {  	s3 =	simm.s32 @!p0 $0x1082;
	s9 =	sld [smem:$0x3FB7]  }
0x2f: {  	lr =	sadd.s32 s0, s3;
	s0 =	sld [smem:$0x3FAE]  }
0x30: {  	s3 =	sld [smem:$0x3FB1]  }
0x31: {  	[smem:$0x3FBA] =	sst s10  }
0x32: {  	s10 =	sld [smem:$0x3FB8];
	_ =	sdelay $0x3  }
0x33: {  	p0 =	seq.s32 s10, $0x1;
	s10 =	sld [smem:$0x3FBA];
	_ =	sdelay $0x3  }
0x34: {  	[smem:$0x3FBA] =	sst s10  }
0x35: {  	s10 =	sld [smem:$0x3FB9];
	_ =	sdelay $0x3  }
0x36: {  	p1 =	seq.s32 s10, $0x1;
	s10 =	sld [smem:$0x3FBA];
	_ =	sdelay $0x3  }
0x37: {  	[smem:$0x3FBA] =	sst s10  }
0x38: {  	s10 =	sld [smem:$0x3FBB]  }
0x39: {  	_ = 	snop;
	(pc) =	sbr.ind lr, $3  }
0x3a: {  	_ = 	snop  }
0x3b: {  	_ = 	snop  }
0x3c: {  	p2 =	seq.s32 s10, $0x1;
	s10 =	sld [smem:$0x3FBA]  }
0x3d: {  	_ =	shalt  }
0x3e: {  	_ =	shalt  }
0x3f: {  	_ =	shalt  }
0x40: {  	_ =	shalt  }
0x41: {  	_ =	shalt  }
0x42: {  	_ =	shalt  }
0x43: {  	_ =	shalt  }
0x44: {  	_ =	shalt  }
0x45: {  	_ =	shalt  }
0x46: {  	_ =	shalt  }
0x47: {  	_ =	shalt  }
0x48: {  	_ =	shalt  }
0x49: {  	_ =	shalt  }
0x4a: {  	_ =	shalt  }
0x4b: {  	_ =	shalt  }
0x4c: {  	_ =	shalt  }
0x4d: {  	_ =	shalt  }
0x4e: {  	_ =	shalt  }
0x4f: {  	_ =	shalt  }
0x50: {  	_ =	shalt  }
0x51: {  	_ =	shalt  }
0x52: {  	_ =	shalt  }
0x53: {  	_ =	shalt  }
0x54: {  	_ =	shalt  }
0x55: {  	_ =	shalt  }
0x56: {  	_ =	shalt  }
0x57: {  	_ =	shalt  }
0x58: {  	_ =	shalt  }
0x59: {  	_ =	shalt  }
0x5a: {  	_ =	shalt  }
0x5b: {  	_ =	shalt  }
0x5c: {  	_ =	shalt  }
0x5d: {  	_ =	shalt  }
0x5e: {  	_ =	shalt  }
0x5f: {  	_ =	shalt  }
0x60: {  	_ =	shalt  }
0x61: {  	_ =	shalt  }
0x62: {  	_ =	shalt  }
0x63: {  	_ =	shalt  }
0x64: {  	_ =	shalt  }
0x65: {  	_ =	shalt  }
0x66: {  	_ =	shalt  }
0x67: {  	_ =	shalt  }
0x68: {  	_ =	shalt  }
0x69: {  	_ =	shalt  }
0x6a: {  	_ =	shalt  }
0x6b: {  	_ =	shalt  }
0x6c: {  	_ =	shalt  }
0x6d: {  	_ =	shalt  }
0x6e: {  	_ =	shalt  }
0x6f: {  	_ =	shalt  }
0x70: {  	_ =	shalt  }
0x71: {  	_ =	shalt  }
0x72: {  	_ =	shalt  }
0x73: {  	_ =	shalt  }
0x74: {  	_ =	shalt  }
0x75: {  	_ =	shalt  }
0x76: {  	_ =	shalt  }
0x77: {  	_ =	shalt  }
0x78: {  	_ =	shalt  }
0x79: {  	_ =	shalt  }
0x7a: {  	_ =	shalt  }
0x7b: {  	_ =	shalt  }
0x7c: {  	_ =	shalt  }
0x7d: {  	_ =	shalt  }
0x7e: {  	_ =	shalt  }
0x7f: {  	_ =	shalt  }
0x80: {  	_ =	shalt  }
0x81: {  	_ =	shalt  }
0x82: {  	_ =	shalt  }
0x83: {  	_ =	shalt  }
0x84: {  	_ =	shalt  }
0x85: {  	_ =	shalt  }
0x86: {  	_ =	shalt  }
0x87: {  	_ =	shalt  }
.Lfunc_end0:
.L_simem_size_0:
called_computation_lowered:
.L_overlay_start_0:
0x88: {  	s2 =	sld [smem:$0x3FD9]  }
0x89: {  	s3 =	sld [smem:$0x3FFE];
	_ =	sdelay $0x1  }
0x8a: {  	s1 =	srdreg.scid  }
0x8b: {  	s0 =	sand.u32 $0x1, s1  }
0x8c: {  	s17 =	sshll.u32 s0, $0xA;
	s2 =	sadd.s32 s3, s2  }
0x8d: {  	s2 =	sadd.s32 s2, s17  }
0x8e: {  	[smem:$0x3FC6] =	sst s2  }
0x8f: {  	_ = 	snop  }
0x90: {  	s2 =	sld [smem:$0x3FC8]  }
0x91: {  	s18 =	sld [smem:$0x3FD0];
	(tm) =	ssettm $0x1  }
0x92: {  	s4 =	sld [smem:$0x3FFB];
	_ =	sdelay $0x3  }
0x93: {  	_ =	strace s4  }
0x94: {  	s4 =	sld [smem:$0x3FFC];
	_ =	sdelay $0x3  }
0x95: {  	_ =	strace s4  }
0x96: {  	s4 =	sld [smem:$0x3FFD];
	_ =	sdelay $0x3  }
0x97: {  	_ =	strace s4  }
0x98: {  	_ =	strace $0x8FFFFFFF  }
0x99: {  	s19 =	sld [smem:$0x3FDB];
	_ =	sdelay $0x1  }
0x9a: {  	s5 =	simm.s32 $_scs_section_size  }
0x9b: {  	s6 =	simm.s32 $_size__tile_overlayer_lowered;
	s7 =	simm.s32 $_tile_overlayer_lowered  }
0x9c: {  	s22 =	simm.s32 $0x1BFF;
	s21 =	sshll.u32 s7, $0x1;
	s4 =	sadd.s32 s5, s19  }
0x9d: {  	s8 =	simm.s32 $0x0;
	s20 =	sshll.u32 s6, $0x1;
	s6 =	sadd.s32 s21, s4  }
0x9e: {  	[timem:s8], [sflag:s22] =	dma.local [hbm:s6], s20  }
0x9f: {  	_ =	swait.ge [sflag:s22], s20  }
0xa0: {  	s5 =	ssub.s32 $0x0, s20;
	[sflag:s22] =	ssyncset.done $0x0  }
0xa1: {  	[sflag:s22] =	ssyncadd.s32 s5;
	_ =	sdelay $0x1  }
0xa2: {  	s23 =	simm.s32 $0x1B8B  }
0xa3: {  	_ =	swait.ge [sflag:s23], $0x1  }
0xa4: {  	[sflag:s23] =	ssyncset.done $0x0  }
0xa5: {  	s25 =	simm.s32 $0x1B8E;
	s24 =	sld [smem:$0x3FFE];
	[sflag:s23] =	ssyncadd.s32 $0xFFFFFFFF  }
0xa6: {  	s26 =	simm.s32 $execute0_lowered;
	[smem:$0x3FD2] =	sst s25  }
0xa7: {  	s6 =	sshll.u32 s26, $0x1;
	_ =	strace $0x80000046;
	[dreg:$0x1] =	wrdreg $0xFFFFFFFF  }
0xa8: {  	s28 =	simm.s32 $_size_execute0_lowered;
	s4 =	sadd.s32 s4, s6;
	[dreg:$0x0] =	wrdreg $0x0  }
0xa9: {  	s6 =	sshll.u32 s28, $0x1;
	[dreg:$0x2] =	wrdreg s4  }
0xaa: {  	[dreg:$0x3] =	wrdreg s6  }
0xab: {  	[dreg:$0x4] =	wrdreg $0xC0  }
0xac: {  	_ =	task [dreg:s8], $0x5FFFF  }
0xad: {  	[dreg:$0x1] =	wrdreg $0xFFFFFFFF  }
0xae: {  	[dreg:$0x0] =	wrdreg $0x60  }
0xaf: {  	[dreg:$0x2] =	wrdreg s24  }
0xb0: {  	[dreg:$0x3] =	wrdreg s2  }
0xb1: {  	[dreg:$0x4] =	wrdreg s18  }
0xb2: {  	[dreg:$0x5] =	wrdreg $0x9  }
0xb3: {  	_ =	task.clear_ibuf [dreg:s8], $0x6FFFF;
	_ =	strace $0x90000046  }
0xb4: {  	s29 =	simm.s32 $0x9;
	_ =	strace $0x80000048  }
0xb5: {  	_ =	swait.ge [sflag:s29], $0x1  }
0xb6: {  	[sflag:s29] =	ssyncadd.s32 $0xFFFFFFFF  }
0xb7: {  	_ =	strace $0x90000048  }
0xb8: {  	_ =	sfence  }
0xb9: {  	s30 =	sld [smem:$0x0];
	_ =	sdelay $0x2  }
0xba: {  	s31 =	sshll.u32 s1, $0xD;
	s1 =	sshrl.u32 s1, $0x2  }
0xbb: {  	s3 =	sand.u32 $0x4000, s31;
	s1 =	sadd.s32 s1, s30  }
0xbc: {  	s0 =	sor.u32 s3, s0;
	s1 =	sshll.u32 s1, $0x11  }
0xbd: {  	s0 =	sor.u32 s1, s0  }
0xbe: {  	s0 =	sadd.s32 $0x8F2B, s0  }
0xbf: {  	[sflag:s0] =	ssyncadd.remote.s32 $0x1  }
0xc0: {  	_ =	sfence.sel $0xFFFF  }
0xc1: {  	[dreg:$0x0] =	wrdreg $0xFFFFFFFF;
	(pc) =	sbr.abs _section_cstart, $3  }
0xc2: {  	[dreg:$0x1] =	wrdreg $0xFFFFFFFF  }
0xc3: {  	_ =	task.clear_ibuf [dreg:s8], $0x2FFFF;
	_ =	strace $0x9FFFFFFF  }
0xc4: {  	(tm) =	ssettm $0x7FFFFFFF  }
0xc5: {  	_ =	shalt  }
tec
execute0_lowered:
.L_overlay_start_1:
0x0: {  	(tag) =	ssettag $0x1  }
0x1: {  	s0 =	rddreg [dreg:$0x0]  }
0x2: {  	s2 =	rddreg [dreg:$0x1]  }
0x3: {  	s1 =	rddreg [dreg:$0x2]  }
0x4: {  	s4 =	srdreg.scid;
	s7 =	stileid.u32  }
0x5: {  	s3 =	simm.s32 $0x0;
	s4 =	sand.u32 $0x1, s4;
	s5 =	sshll.u32 s7, $0x1  }
0x6: {  	s31 =	simm.s32 $0x40;
	s7 =	sshll.u32 s7, $0x11;
	s5 =	sor.u32 s4, s5  }
0x7: {  	[smem:$0x7FF] =	sst s3;
	s16 =	sand.u32 $0x180000, s7;
	s6 =	sshll.u32 s5, $0x6  }
0x8: {  	_ =	strace $0x80000047;
	s5 =	sshll.u32 s5, $0x10;
	s0 =	sadd.s32 s6, s0  }
0x9: {  	[dreg:$0xe] =	wrdreg s31;
	s5 =	sand.u32 $0x70000, s5;
	s17 =	sadd.s32 $0x400, s0  }
0xa: {  	s5 =	sor.u32 s16, s5;
	s0 =	sadd.s32 $0x408, s0;
	[dreg:$0x4] =	wrdreg s17  }
0xb: {  	s28 =	simm.s32 $0x3;
	s8 =	sadd.s32 s1, s5;
	[dreg:$0x5] =	wrdreg s0  }
0xc: {  	s29 =	simm.s32 $0x2;
	s18 =	sadd.s32 $0x2000, s8;
	[dreg:$0xf] =	wrdreg s8  }
0xd: {  	s30 =	simm.s32 $0x4;
	s19 =	sadd.s32 $0x3C00, s8;
	[dreg:$0x6] =	wrdreg s18  }
0xe: {  	s20 =	ssub.s32 $0x2, s4;
	s21 =	sadd.s32 $0x5C00, s8;
	[dreg:$0x7] =	wrdreg s19  }
0xf: {  	s7 =	sadd.s32 $0x300, s2;
	s22 =	sadd.s32 $0x7800, s8;
	[dreg:$0x8] =	wrdreg s21  }
0x10: {  	s4 =	sshrl.u32 s20, $0x1;
	s23 =	sadd.s32 $0x9800, s8;
	[dreg:$0x9] =	wrdreg s22  }
0x11: {  	s6 =	sadd.s32 $0x200, s2;
	s24 =	sadd.s32 $0xB400, s8;
	[dreg:$0xa] =	wrdreg s23  }
0x12: {  	v2 =	vlaneseq.u32;
	s1 =	ssub.s32 s20, s4;
	s25 =	sadd.s32 $0xD400, s8;
	[dreg:$0xb] =	wrdreg s24  }
0x13: {  	vm0 =	vmmov $0xffff;
	v1 =	vshrl.u32 v2, $0x3;
	s5 =	sadd.s32 $0x100, s2;
	s26 =	sadd.s32 $0xF000, s8;
	[dreg:$0xc] =	wrdreg s25  }
0x14: {  	v0 =	vand.u32 $0x7, v2;
	v2 =	vor.u32 $0x8, v2;
	v1 =	vmul.u32 $0x8, v1;
	s4 =	simm.s32 $0x1;
	s8 =	smax.u32 s1, $0x1;
	[dreg:$0xd] =	wrdreg s26  }
.LBB2_1:
0x15: {  	s31 =	rddreg [dreg:$0x4];
	s1 =	simm.s32 $0x5  }
0x16: {  	[tilespmem:s3], [sflag:$0x5] =	stream.linear.gather [hbm4b:s31+s3], $0x40, $0x38;
	[tilespmem:$0x1E200] =	vst v63  }
0x17: {  	_ =	swait.ge [sflag:s1], $0x40  }
0x18: {  	[sflag:s1] =	ssyncset.done $0x0  }
0x19: {  	[sflag:s1] =	ssyncadd.s32 $0xFFFFFFC0  }
0x1a: {  	v3 =	vld [tilespmem:$0x0];
	_ =	sdelay $0x4  }
0x1b: {  	v4 =	vshll.u32 v3, $0x3  }
0x1c: {  	v3 =	vand.u32 $0x7, v3;
	v4 =	vand.u32 $0xFFFFFFC0, v4  }
0x1d: {  	v3 =	vor.u32 v3, v4  }
0x1e: {  	v4 =	vperm.xlane v3, v0;
	_ =	sdelay $0x1  }
0x1f: {  	v4 =	vadd.s32 v1, v4;
	_ =	sdelay $0x3  }
0x20: {  	s0 =	simm.s32 $0x200  }
0x21: {  	[tilespmem:s0], [sflag:$0x1] =	stream.indirect_vreg.gather [hbm4b:s2+s3], $0x80, v4, vm0, $0xb8;
	[tilespmem:$0x1E200] =	vst v63  }
0x22: {  	s20 =	simm.s32 $0xA00;
	v3 =	vperm.xlane v3, v2  }
0x23: {  	[tilespmem:s20], [sflag:$0x1] =	stream.indirect_vreg.gather [hbm4b:s5+s3], $0x80, v4, vm0, $0xb8;
	[tilespmem:$0x1E200] =	vst v63  }
0x24: {  	s21 =	simm.s32 $0x1200;
	v3 =	vadd.s32 v1, v3  }
0x25: {  	[tilespmem:s21], [sflag:$0x1] =	stream.indirect_vreg.gather [hbm4b:s6+s3], $0x80, v4, vm0, $0xb8;
	[tilespmem:$0x1E200] =	vst v63  }
0x26: {  	s22 =	simm.s32 $0x1A00  }
0x27: {  	[tilespmem:s22], [sflag:$0x1] =	stream.indirect_vreg.gather [hbm4b:s7+s3], $0x80, v4, vm0, $0xb8;
	[tilespmem:$0x1E200] =	vst v63  }
0x28: {  	s23 =	simm.s32 $0x2200  }
0x29: {  	[tilespmem:s23], [sflag:$0x1] =	stream.indirect_vreg.gather [hbm4b:s2+s3], $0x80, v3, vm0, $0xb8;
	[tilespmem:$0x1E200] =	vst v63  }
0x2a: {  	s24 =	simm.s32 $0x2A00  }
0x2b: {  	[tilespmem:s24], [sflag:$0x1] =	stream.indirect_vreg.gather [hbm4b:s5+s3], $0x80, v3, vm0, $0xb8;
	[tilespmem:$0x1E200] =	vst v63  }
0x2c: {  	s25 =	simm.s32 $0x3200  }
0x2d: {  	[tilespmem:s25], [sflag:$0x1] =	stream.indirect_vreg.gather [hbm4b:s6+s3], $0x80, v3, vm0, $0xb8;
	[tilespmem:$0x1E200] =	vst v63  }
0x2e: {  	s26 =	simm.s32 $0x3A00  }
0x2f: {  	[tilespmem:s26], [sflag:$0x1] =	stream.indirect_vreg.gather [hbm4b:s7+s3], $0x80, v3, vm0, $0xb8;
	[tilespmem:$0x1E200] =	vst v63  }
0x30: {  	v3 =	vld [tilespmem:$0x10];
	_ =	sdelay $0x4  }
0x31: {  	v31 =	vshll.u32 v3, $0x3  }
0x32: {  	v3 =	vand.u32 $0x7, v3;
	v4 =	vand.u32 $0xFFFFFFC0, v31  }
0x33: {  	v3 =	vor.u32 v3, v4  }
0x34: {  	v4 =	vperm.xlane v3, v0;
	_ =	sdelay $0x1  }
0x35: {  	v4 =	vadd.s32 v1, v4;
	_ =	sdelay $0x3  }
0x36: {  	s31 =	simm.s32 $0x4200  }
0x37: {  	[tilespmem:s31], [sflag:$0x1] =	stream.indirect_vreg.gather [hbm4b:s2+s3], $0x80, v4, vm0, $0xb8;
	[tilespmem:$0x1E200] =	vst v63  }
0x38: {  	s9 =	simm.s32 $0x4A00;
	v3 =	vperm.xlane v3, v2  }
0x39: {  	[tilespmem:s9], [sflag:$0x1] =	stream.indirect_vreg.gather [hbm4b:s5+s3], $0x80, v4, vm0, $0xb8;
	[tilespmem:$0x1E200] =	vst v63  }
0x3a: {  	s10 =	simm.s32 $0x5200;
	v3 =	vadd.s32 v1, v3  }
0x3b: {  	[tilespmem:s10], [sflag:$0x1] =	stream.indirect_vreg.gather [hbm4b:s6+s3], $0x80, v4, vm0, $0xb8;
	[tilespmem:$0x1E200] =	vst v63  }
0x3c: {  	s11 =	simm.s32 $0x5A00  }
0x3d: {  	[tilespmem:s11], [sflag:$0x1] =	stream.indirect_vreg.gather [hbm4b:s7+s3], $0x80, v4, vm0, $0xb8;
	[tilespmem:$0x1E200] =	vst v63  }
0x3e: {  	s12 =	simm.s32 $0x6200  }
0x3f: {  	[tilespmem:s12], [sflag:$0x1] =	stream.indirect_vreg.gather [hbm4b:s2+s3], $0x80, v3, vm0, $0xb8;
	[tilespmem:$0x1E200] =	vst v63  }
0x40: {  	s13 =	simm.s32 $0x6A00  }
0x41: {  	[tilespmem:s13], [sflag:$0x1] =	stream.indirect_vreg.gather [hbm4b:s5+s3], $0x80, v3, vm0, $0xb8;
	[tilespmem:$0x1E200] =	vst v63  }
0x42: {  	s14 =	simm.s32 $0x7200  }
0x43: {  	[tilespmem:s14], [sflag:$0x1] =	stream.indirect_vreg.gather [hbm4b:s6+s3], $0x80, v3, vm0, $0xb8;
	[tilespmem:$0x1E200] =	vst v63  }
0x44: {  	s15 =	simm.s32 $0x7A00  }
0x45: {  	[tilespmem:s15], [sflag:$0x1] =	stream.indirect_vreg.gather [hbm4b:s7+s3], $0x80, v3, vm0, $0xb8;
	[tilespmem:$0x1E200] =	vst v63  }
0x46: {  	v3 =	vld [tilespmem:$0x20];
	_ =	sdelay $0x4  }
0x47: {  	v32 =	vshll.u32 v3, $0x3  }
0x48: {  	v3 =	vand.u32 $0x7, v3;
	v4 =	vand.u32 $0xFFFFFFC0, v32  }
0x49: {  	v3 =	vor.u32 v3, v4  }
0x4a: {  	v4 =	vperm.xlane v3, v0;
	_ =	sdelay $0x1  }
0x4b: {  	v4 =	vadd.s32 v1, v4;
	_ =	sdelay $0x3  }
0x4c: {  	s16 =	simm.s32 $0x8200  }
0x4d: {  	[tilespmem:s16], [sflag:$0x1] =	stream.indirect_vreg.gather [hbm4b:s2+s3], $0x80, v4, vm0, $0xb8;
	[tilespmem:$0x1E200] =	vst v63  }
0x4e: {  	s17 =	simm.s32 $0x8A00;
	v3 =	vperm.xlane v3, v2  }
0x4f: {  	[tilespmem:s17], [sflag:$0x1] =	stream.indirect_vreg.gather [hbm4b:s5+s3], $0x80, v4, vm0, $0xb8;
	[tilespmem:$0x1E200] =	vst v63  }
0x50: {  	s18 =	simm.s32 $0x9200;
	v3 =	vadd.s32 v1, v3  }
0x51: {  	[tilespmem:s18], [sflag:$0x1] =	stream.indirect_vreg.gather [hbm4b:s6+s3], $0x80, v4, vm0, $0xb8;
	[tilespmem:$0x1E200] =	vst v63  }
0x52: {  	s19 =	simm.s32 $0x9A00  }
0x53: {  	[tilespmem:s19], [sflag:$0x1] =	stream.indirect_vreg.gather [hbm4b:s7+s3], $0x80, v4, vm0, $0xb8;
	[tilespmem:$0x1E200] =	vst v63  }
0x54: {  	s20 =	simm.s32 $0xA200  }
0x55: {  	[tilespmem:s20], [sflag:$0x1] =	stream.indirect_vreg.gather [hbm4b:s2+s3], $0x80, v3, vm0, $0xb8;
	[tilespmem:$0x1E200] =	vst v63  }
0x56: {  	s21 =	simm.s32 $0xAA00  }
0x57: {  	[tilespmem:s21], [sflag:$0x1] =	stream.indirect_vreg.gather [hbm4b:s5+s3], $0x80, v3, vm0, $0xb8;
	[tilespmem:$0x1E200] =	vst v63  }
0x58: {  	s22 =	simm.s32 $0xB200  }
0x59: {  	[tilespmem:s22], [sflag:$0x1] =	stream.indirect_vreg.gather [hbm4b:s6+s3], $0x80, v3, vm0, $0xb8;
	[tilespmem:$0x1E200] =	vst v63  }
0x5a: {  	s23 =	simm.s32 $0xBA00  }
0x5b: {  	[tilespmem:s23], [sflag:$0x1] =	stream.indirect_vreg.gather [hbm4b:s7+s3], $0x80, v3, vm0, $0xb8;
	[tilespmem:$0x1E200] =	vst v63  }
0x5c: {  	v3 =	vld [tilespmem:$0x30];
	_ =	sdelay $0x4  }
0x5d: {  	v33 =	vshll.u32 v3, $0x3  }
0x5e: {  	v3 =	vand.u32 $0x7, v3;
	v4 =	vand.u32 $0xFFFFFFC0, v33  }
0x5f: {  	v3 =	vor.u32 v3, v4  }
0x60: {  	v4 =	vperm.xlane v3, v0;
	_ =	sdelay $0x1  }
0x61: {  	v4 =	vadd.s32 v1, v4;
	_ =	sdelay $0x3  }
0x62: {  	s24 =	simm.s32 $0xC200  }
0x63: {  	[tilespmem:s24], [sflag:$0x1] =	stream.indirect_vreg.gather [hbm4b:s2+s3], $0x80, v4, vm0, $0xb8;
	[tilespmem:$0x1E200] =	vst v63  }
0x64: {  	s25 =	simm.s32 $0xCA00;
	v3 =	vperm.xlane v3, v2  }
0x65: {  	[tilespmem:s25], [sflag:$0x1] =	stream.indirect_vreg.gather [hbm4b:s5+s3], $0x80, v4, vm0, $0xb8;
	[tilespmem:$0x1E200] =	vst v63  }
0x66: {  	s26 =	simm.s32 $0xD200;
	v3 =	vadd.s32 v1, v3  }
0x67: {  	[tilespmem:s26], [sflag:$0x1] =	stream.indirect_vreg.gather [hbm4b:s6+s3], $0x80, v4, vm0, $0xb8;
	[tilespmem:$0x1E200] =	vst v63  }
0x68: {  	s31 =	simm.s32 $0xDA00  }
0x69: {  	[tilespmem:s31], [sflag:$0x1] =	stream.indirect_vreg.gather [hbm4b:s7+s3], $0x80, v4, vm0, $0xb8;
	[tilespmem:$0x1E200] =	vst v63  }
0x6a: {  	s9 =	simm.s32 $0xE200  }
0x6b: {  	[tilespmem:s9], [sflag:$0x1] =	stream.indirect_vreg.gather [hbm4b:s2+s3], $0x80, v3, vm0, $0xb8;
	[tilespmem:$0x1E200] =	vst v63  }
0x6c: {  	s12 =	simm.s32 $0xEA00  }
0x6d: {  	[tilespmem:s12], [sflag:$0x1] =	stream.indirect_vreg.gather [hbm4b:s5+s3], $0x80, v3, vm0, $0xb8;
	[tilespmem:$0x1E200] =	vst v63  }
0x6e: {  	s13 =	simm.s32 $0xF200  }
0x6f: {  	[tilespmem:s13], [sflag:$0x1] =	stream.indirect_vreg.gather [hbm4b:s6+s3], $0x80, v3, vm0, $0xb8;
	[tilespmem:$0x1E200] =	vst v63  }
0x70: {  	s14 =	rddreg [dreg:$0x5];
	s9 =	simm.s32 $0xFA00  }
0x71: {  	[tilespmem:s9], [sflag:$0x1] =	stream.indirect_vreg.gather [hbm4b:s7+s3], $0x80, v3, vm0, $0xb8;
	[tilespmem:$0x1E200] =	vst v63  }
0x72: {  	s15 =	rddreg [dreg:$0xe]  }
0x73: {  	[tilespmem:s15], [sflag:$0x5] =	stream.linear.gather [hbm4b:s14+s3], $0x1C0, $0x38;
	[tilespmem:$0x1E200] =	vst v63  }
0x74: {  	_ =	swait.ge [sflag:s1], $0x1C0  }
0x75: {  	[sflag:s1] =	ssyncset.done $0x0  }
0x76: {  	[sflag:s1] =	ssyncadd.s32 $0xFFFFFE40  }
0x77: {  	v3 =	vld [tilespmem:$0x40];
	_ =	sdelay $0x4  }
0x78: {  	v34 =	vshll.u32 v3, $0x3  }
0x79: {  	v3 =	vand.u32 $0x7, v3;
	v4 =	vand.u32 $0xFFFFFFC0, v34  }
0x7a: {  	v3 =	vor.u32 v3, v4  }
0x7b: {  	v4 =	vperm.xlane v3, v0;
	_ =	sdelay $0x1  }
0x7c: {  	v4 =	vadd.s32 v1, v4;
	_ =	sdelay $0x3  }
0x7d: {  	s16 =	simm.s32 $0x10200  }
0x7e: {  	[tilespmem:s16], [sflag:$0x2] =	stream.indirect_vreg.gather [hbm4b:s2+s3], $0x80, v4, vm0, $0xb8;
	[tilespmem:$0x1E200] =	vst v63  }
0x7f: {  	s17 =	simm.s32 $0x10A00;
	v3 =	vperm.xlane v3, v2  }
0x80: {  	[tilespmem:s17], [sflag:$0x2] =	stream.indirect_vreg.gather [hbm4b:s5+s3], $0x80, v4, vm0, $0xb8;
	[tilespmem:$0x1E200] =	vst v63  }
0x81: {  	s18 =	simm.s32 $0x11200;
	v3 =	vadd.s32 v1, v3  }
0x82: {  	[tilespmem:s18], [sflag:$0x2] =	stream.indirect_vreg.gather [hbm4b:s6+s3], $0x80, v4, vm0, $0xb8;
	[tilespmem:$0x1E200] =	vst v63  }
0x83: {  	s19 =	simm.s32 $0x11A00  }
0x84: {  	[tilespmem:s19], [sflag:$0x2] =	stream.indirect_vreg.gather [hbm4b:s7+s3], $0x80, v4, vm0, $0xb8;
	[tilespmem:$0x1E200] =	vst v63  }
0x85: {  	s20 =	simm.s32 $0x12200  }
0x86: {  	[tilespmem:s20], [sflag:$0x2] =	stream.indirect_vreg.gather [hbm4b:s2+s3], $0x80, v3, vm0, $0xb8;
	[tilespmem:$0x1E200] =	vst v63  }
0x87: {  	s21 =	simm.s32 $0x12A00  }
0x88: {  	[tilespmem:s21], [sflag:$0x2] =	stream.indirect_vreg.gather [hbm4b:s5+s3], $0x80, v3, vm0, $0xb8;
	[tilespmem:$0x1E200] =	vst v63  }
0x89: {  	s22 =	simm.s32 $0x13200  }
0x8a: {  	[tilespmem:s22], [sflag:$0x2] =	stream.indirect_vreg.gather [hbm4b:s6+s3], $0x80, v3, vm0, $0xb8;
	[tilespmem:$0x1E200] =	vst v63  }
0x8b: {  	s23 =	simm.s32 $0x13A00  }
0x8c: {  	[tilespmem:s23], [sflag:$0x2] =	stream.indirect_vreg.gather [hbm4b:s7+s3], $0x80, v3, vm0, $0xb8;
	[tilespmem:$0x1E200] =	vst v63  }
0x8d: {  	v3 =	vld [tilespmem:$0x50];
	_ =	sdelay $0x4  }
0x8e: {  	v35 =	vshll.u32 v3, $0x3  }
0x8f: {  	v3 =	vand.u32 $0x7, v3;
	v4 =	vand.u32 $0xFFFFFFC0, v35  }
0x90: {  	v3 =	vor.u32 v3, v4  }
0x91: {  	v4 =	vperm.xlane v3, v0;
	_ =	sdelay $0x1  }
0x92: {  	v4 =	vadd.s32 v1, v4;
	_ =	sdelay $0x3  }
0x93: {  	s24 =	simm.s32 $0x14200  }
0x94: {  	[tilespmem:s24], [sflag:$0x2] =	stream.indirect_vreg.gather [hbm4b:s2+s3], $0x80, v4, vm0, $0xb8;
	[tilespmem:$0x1E200] =	vst v63  }
0x95: {  	s25 =	simm.s32 $0x14A00;
	v3 =	vperm.xlane v3, v2  }
0x96: {  	[tilespmem:s25], [sflag:$0x2] =	stream.indirect_vreg.gather [hbm4b:s5+s3], $0x80, v4, vm0, $0xb8;
	[tilespmem:$0x1E200] =	vst v63  }
0x97: {  	s26 =	simm.s32 $0x15200;
	v3 =	vadd.s32 v1, v3  }
0x98: {  	[tilespmem:s26], [sflag:$0x2] =	stream.indirect_vreg.gather [hbm4b:s6+s3], $0x80, v4, vm0, $0xb8;
	[tilespmem:$0x1E200] =	vst v63  }
0x99: {  	s31 =	simm.s32 $0x15A00  }
0x9a: {  	[tilespmem:s31], [sflag:$0x2] =	stream.indirect_vreg.gather [hbm4b:s7+s3], $0x80, v4, vm0, $0xb8;
	[tilespmem:$0x1E200] =	vst v63  }
0x9b: {  	s1 =	simm.s32 $0x16200  }
0x9c: {  	[tilespmem:s1], [sflag:$0x2] =	stream.indirect_vreg.gather [hbm4b:s2+s3], $0x80, v3, vm0, $0xb8;
	[tilespmem:$0x1E200] =	vst v63  }
0x9d: {  	s9 =	simm.s32 $0x16A00  }
0x9e: {  	[tilespmem:s9], [sflag:$0x2] =	stream.indirect_vreg.gather [hbm4b:s5+s3], $0x80, v3, vm0, $0xb8;
	[tilespmem:$0x1E200] =	vst v63  }
0x9f: {  	s12 =	simm.s32 $0x17200  }
0xa0: {  	[tilespmem:s12], [sflag:$0x2] =	stream.indirect_vreg.gather [hbm4b:s6+s3], $0x80, v3, vm0, $0xb8;
	[tilespmem:$0x1E200] =	vst v63  }
0xa1: {  	s13 =	simm.s32 $0x17A00  }
0xa2: {  	[tilespmem:s13], [sflag:$0x2] =	stream.indirect_vreg.gather [hbm4b:s7+s3], $0x80, v3, vm0, $0xb8;
	[tilespmem:$0x1E200] =	vst v63  }
0xa3: {  	v3 =	vld [tilespmem:$0x60];
	_ =	sdelay $0x4  }
0xa4: {  	v36 =	vshll.u32 v3, $0x3  }
0xa5: {  	v3 =	vand.u32 $0x7, v3;
	v4 =	vand.u32 $0xFFFFFFC0, v36  }
0xa6: {  	v3 =	vor.u32 v3, v4  }
0xa7: {  	v4 =	vperm.xlane v3, v0;
	_ =	sdelay $0x1  }
0xa8: {  	v4 =	vadd.s32 v1, v4;
	_ =	sdelay $0x3  }
0xa9: {  	s14 =	simm.s32 $0x18200  }
0xaa: {  	[tilespmem:s14], [sflag:$0x2] =	stream.indirect_vreg.gather [hbm4b:s2+s3], $0x80, v4, vm0, $0xb8;
	[tilespmem:$0x1E200] =	vst v63  }
0xab: {  	s15 =	simm.s32 $0x18A00;
	v3 =	vperm.xlane v3, v2  }
0xac: {  	[tilespmem:s15], [sflag:$0x2] =	stream.indirect_vreg.gather [hbm4b:s5+s3], $0x80, v4, vm0, $0xb8;
	[tilespmem:$0x1E200] =	vst v63  }
0xad: {  	s16 =	simm.s32 $0x19200;
	v3 =	vadd.s32 v1, v3  }
0xae: {  	[tilespmem:s16], [sflag:$0x2] =	stream.indirect_vreg.gather [hbm4b:s6+s3], $0x80, v4, vm0, $0xb8;
	[tilespmem:$0x1E200] =	vst v63  }
0xaf: {  	s17 =	simm.s32 $0x19A00  }
0xb0: {  	[tilespmem:s17], [sflag:$0x2] =	stream.indirect_vreg.gather [hbm4b:s7+s3], $0x80, v4, vm0, $0xb8;
	[tilespmem:$0x1E200] =	vst v63  }
0xb1: {  	s18 =	simm.s32 $0x1A200  }
0xb2: {  	[tilespmem:s18], [sflag:$0x2] =	stream.indirect_vreg.gather [hbm4b:s2+s3], $0x80, v3, vm0, $0xb8;
	[tilespmem:$0x1E200] =	vst v63  }
0xb3: {  	s19 =	simm.s32 $0x1AA00  }
0xb4: {  	[tilespmem:s19], [sflag:$0x2] =	stream.indirect_vreg.gather [hbm4b:s5+s3], $0x80, v3, vm0, $0xb8;
	[tilespmem:$0x1E200] =	vst v63  }
0xb5: {  	s20 =	simm.s32 $0x1B200  }
0xb6: {  	[tilespmem:s20], [sflag:$0x2] =	stream.indirect_vreg.gather [hbm4b:s6+s3], $0x80, v3, vm0, $0xb8;
	[tilespmem:$0x1E200] =	vst v63  }
0xb7: {  	s21 =	simm.s32 $0x1BA00  }
0xb8: {  	[tilespmem:s21], [sflag:$0x2] =	stream.indirect_vreg.gather [hbm4b:s7+s3], $0x80, v3, vm0, $0xb8;
	[tilespmem:$0x1E200] =	vst v63  }
0xb9: {  	v3 =	vld.msk [tilespmem:$0x70], $0xff;
	_ =	sdelay $0x4  }
0xba: {  	v37 =	vshll.u32 v3, $0x3  }
0xbb: {  	v3 =	vand.u32 $0x7, v3;
	v4 =	vand.u32 $0xFFFFFFC0, v37  }
0xbc: {  	v3 =	vor.u32 v3, v4  }
0xbd: {  	v3 =	vperm.xlane v3, v0;
	_ =	sdelay $0x1  }
0xbe: {  	v3 =	vadd.s32 v1, v3;
	_ =	sdelay $0x3  }
0xbf: {  	s22 =	simm.s32 $0x1C200  }
0xc0: {  	[tilespmem:s22], [sflag:$0x2] =	stream.indirect_vreg.gather [hbm4b:s2+s3], $0x80, v3, vm0, $0xb8;
	[tilespmem:$0x1E200] =	vst v63  }
0xc1: {  	s23 =	simm.s32 $0x1CA00  }
0xc2: {  	[tilespmem:s23], [sflag:$0x2] =	stream.indirect_vreg.gather [hbm4b:s5+s3], $0x80, v3, vm0, $0xb8;
	[tilespmem:$0x1E200] =	vst v63  }
0xc3: {  	s24 =	simm.s32 $0x1D200  }
0xc4: {  	[tilespmem:s24], [sflag:$0x2] =	stream.indirect_vreg.gather [hbm4b:s6+s3], $0x80, v3, vm0, $0xb8;
	[tilespmem:$0x1E200] =	vst v63  }
0xc5: {  	s25 =	simm.s32 $0x1DA00  }
0xc6: {  	[tilespmem:s25], [sflag:$0x2] =	stream.indirect_vreg.gather [hbm4b:s7+s3], $0x80, v3, vm0, $0xb8;
	[tilespmem:$0x1E200] =	vst v63  }
0xc7: {  	_ =	swait.ge [sflag:s4], $0x10000  }
0xc8: {  	[sflag:s4] =	ssyncset.done $0x0  }
0xc9: {  	s31 =	simm.s32 $0x200;
	s26 =	rddreg [dreg:$0xf];
	[sflag:s4] =	ssyncadd.s32 $0xFFFF0000  }
0xca: {  	[hbm4b:s26+s3] =	stream.linear.scatter [tilespmem:s31], [sflag:$0x3], $0x10000, $0x38;
	[tilespmem:$0x1E200] =	vst v63  }
0xcb: {  	_ =	swait.ge [sflag:s28], $0x10000  }
0xcc: {  	[sflag:s28] =	ssyncset.done $0x0  }
0xcd: {  	[sflag:s28] =	ssyncadd.s32 $0xFFFF0000  }
0xce: {  	v3 =	vld [tilespmem:$0x78];
	_ =	sdelay $0x4  }
0xcf: {  	v38 =	vshll.u32 v3, $0x3  }
0xd0: {  	v3 =	vand.u32 $0x7, v3;
	v4 =	vand.u32 $0xFFFFFFC0, v38  }
0xd1: {  	v3 =	vor.u32 v3, v4  }
0xd2: {  	v4 =	vperm.xlane v3, v0;
	_ =	sdelay $0x1  }
0xd3: {  	v4 =	vadd.s32 v1, v4;
	_ =	sdelay $0x4  }
0xd4: {  	[tilespmem:s31], [sflag:$0x1] =	stream.indirect_vreg.gather [hbm4b:s2+s3], $0x80, v4, vm0, $0xb8;
	[tilespmem:$0x1E200] =	vst v63  }
0xd5: {  	s19 =	simm.s32 $0xA00;
	v3 =	vperm.xlane v3, v2  }
0xd6: {  	[tilespmem:s19], [sflag:$0x1] =	stream.indirect_vreg.gather [hbm4b:s5+s3], $0x80, v4, vm0, $0xb8;
	[tilespmem:$0x1E200] =	vst v63  }
0xd7: {  	v3 =	vadd.s32 v1, v3;
	s31 =	simm.s32 $0x1200  }
0xd8: {  	[tilespmem:s31], [sflag:$0x1] =	stream.indirect_vreg.gather [hbm4b:s6+s3], $0x80, v4, vm0, $0xb8;
	[tilespmem:$0x1E200] =	vst v63  }
0xd9: {  	s9 =	simm.s32 $0x1A00  }
0xda: {  	[tilespmem:s9], [sflag:$0x1] =	stream.indirect_vreg.gather [hbm4b:s7+s3], $0x80, v4, vm0, $0xb8;
	[tilespmem:$0x1E200] =	vst v63  }
0xdb: {  	s26 =	simm.s32 $0x2200  }
0xdc: {  	[tilespmem:s26], [sflag:$0x1] =	stream.indirect_vreg.gather [hbm4b:s2+s3], $0x80, v3, vm0, $0xb8;
	[tilespmem:$0x1E200] =	vst v63  }
0xdd: {  	s12 =	simm.s32 $0x2A00  }
0xde: {  	[tilespmem:s12], [sflag:$0x1] =	stream.indirect_vreg.gather [hbm4b:s5+s3], $0x80, v3, vm0, $0xb8;
	[tilespmem:$0x1E200] =	vst v63  }
0xdf: {  	s13 =	simm.s32 $0x3200  }
0xe0: {  	[tilespmem:s13], [sflag:$0x1] =	stream.indirect_vreg.gather [hbm4b:s6+s3], $0x80, v3, vm0, $0xb8;
	[tilespmem:$0x1E200] =	vst v63  }
0xe1: {  	s20 =	simm.s32 $0x3A00  }
0xe2: {  	[tilespmem:s20], [sflag:$0x1] =	stream.indirect_vreg.gather [hbm4b:s7+s3], $0x80, v3, vm0, $0xb8;
	[tilespmem:$0x1E200] =	vst v63  }
0xe3: {  	v3 =	vld [tilespmem:$0x88];
	_ =	sdelay $0x4  }
0xe4: {  	v39 =	vshll.u32 v3, $0x3  }
0xe5: {  	v3 =	vand.u32 $0x7, v3;
	v4 =	vand.u32 $0xFFFFFFC0, v39  }
0xe6: {  	v3 =	vor.u32 v3, v4  }
0xe7: {  	v4 =	vperm.xlane v3, v0;
	_ =	sdelay $0x1  }
0xe8: {  	v4 =	vadd.s32 v1, v4;
	_ =	sdelay $0x3  }
0xe9: {  	s21 =	simm.s32 $0x4200  }
0xea: {  	[tilespmem:s21], [sflag:$0x1] =	stream.indirect_vreg.gather [hbm4b:s2+s3], $0x80, v4, vm0, $0xb8;
	[tilespmem:$0x1E200] =	vst v63  }
0xeb: {  	s22 =	simm.s32 $0x4A00;
	v3 =	vperm.xlane v3, v2  }
0xec: {  	[tilespmem:s22], [sflag:$0x1] =	stream.indirect_vreg.gather [hbm4b:s5+s3], $0x80, v4, vm0, $0xb8;
	[tilespmem:$0x1E200] =	vst v63  }
0xed: {  	s14 =	simm.s32 $0x5200;
	v3 =	vadd.s32 v1, v3  }
0xee: {  	[tilespmem:s14], [sflag:$0x1] =	stream.indirect_vreg.gather [hbm4b:s6+s3], $0x80, v4, vm0, $0xb8;
	[tilespmem:$0x1E200] =	vst v63  }
0xef: {  	s15 =	simm.s32 $0x5A00  }
0xf0: {  	[tilespmem:s15], [sflag:$0x1] =	stream.indirect_vreg.gather [hbm4b:s7+s3], $0x80, v4, vm0, $0xb8;
	[tilespmem:$0x1E200] =	vst v63  }
0xf1: {  	s16 =	simm.s32 $0x6200  }
0xf2: {  	[tilespmem:s16], [sflag:$0x1] =	stream.indirect_vreg.gather [hbm4b:s2+s3], $0x80, v3, vm0, $0xb8;
	[tilespmem:$0x1E200] =	vst v63  }
0xf3: {  	s17 =	simm.s32 $0x6A00  }
0xf4: {  	[tilespmem:s17], [sflag:$0x1] =	stream.indirect_vreg.gather [hbm4b:s5+s3], $0x80, v3, vm0, $0xb8;
	[tilespmem:$0x1E200] =	vst v63  }
0xf5: {  	s18 =	simm.s32 $0x7200  }
0xf6: {  	[tilespmem:s18], [sflag:$0x1] =	stream.indirect_vreg.gather [hbm4b:s6+s3], $0x80, v3, vm0, $0xb8;
	[tilespmem:$0x1E200] =	vst v63  }
0xf7: {  	s23 =	simm.s32 $0x7A00  }
0xf8: {  	[tilespmem:s23], [sflag:$0x1] =	stream.indirect_vreg.gather [hbm4b:s7+s3], $0x80, v3, vm0, $0xb8;
	[tilespmem:$0x1E200] =	vst v63  }
0xf9: {  	v3 =	vld [tilespmem:$0x98];
	_ =	sdelay $0x4  }
0xfa: {  	v40 =	vshll.u32 v3, $0x3  }
0xfb: {  	v3 =	vand.u32 $0x7, v3;
	v4 =	vand.u32 $0xFFFFFFC0, v40  }
0xfc: {  	v3 =	vor.u32 v3, v4  }
0xfd: {  	v4 =	vperm.xlane v3, v0;
	_ =	sdelay $0x1  }
0xfe: {  	v4 =	vadd.s32 v1, v4;
	_ =	sdelay $0x3  }
0xff: {  	s10 =	simm.s32 $0x8200  }
0x100: {  	[tilespmem:s10], [sflag:$0x1] =	stream.indirect_vreg.gather [hbm4b:s2+s3], $0x80, v4, vm0, $0xb8;
	[tilespmem:$0x1E200] =	vst v63  }
0x101: {  	s11 =	simm.s32 $0x8A00;
	v3 =	vperm.xlane v3, v2  }
0x102: {  	[tilespmem:s11], [sflag:$0x1] =	stream.indirect_vreg.gather [hbm4b:s5+s3], $0x80, v4, vm0, $0xb8;
	[tilespmem:$0x1E200] =	vst v63  }
0x103: {  	v3 =	vadd.s32 v1, v3;
	s11 =	simm.s32 $0x9200  }
0x104: {  	[tilespmem:s11], [sflag:$0x1] =	stream.indirect_vreg.gather [hbm4b:s6+s3], $0x80, v4, vm0, $0xb8;
	[tilespmem:$0x1E200] =	vst v63  }
0x105: {  	s24 =	simm.s32 $0x9A00  }
0x106: {  	[tilespmem:s24], [sflag:$0x1] =	stream.indirect_vreg.gather [hbm4b:s7+s3], $0x80, v4, vm0, $0xb8;
	[tilespmem:$0x1E200] =	vst v63  }
0x107: {  	s25 =	simm.s32 $0xA200  }
0x108: {  	[tilespmem:s25], [sflag:$0x1] =	stream.indirect_vreg.gather [hbm4b:s2+s3], $0x80, v3, vm0, $0xb8;
	[tilespmem:$0x1E200] =	vst v63  }
0x109: {  	s10 =	simm.s32 $0xAA00  }
0x10a: {  	[tilespmem:s10], [sflag:$0x1] =	stream.indirect_vreg.gather [hbm4b:s5+s3], $0x80, v3, vm0, $0xb8;
	[tilespmem:$0x1E200] =	vst v63  }
0x10b: {  	s1 =	simm.s32 $0xB200  }
0x10c: {  	[tilespmem:s1], [sflag:$0x1] =	stream.indirect_vreg.gather [hbm4b:s6+s3], $0x80, v3, vm0, $0xb8;
	[tilespmem:$0x1E200] =	vst v63  }
0x10d: {  	s1 =	simm.s32 $0xBA00  }
0x10e: {  	[tilespmem:s1], [sflag:$0x1] =	stream.indirect_vreg.gather [hbm4b:s7+s3], $0x80, v3, vm0, $0xb8;
	[tilespmem:$0x1E200] =	vst v63  }
0x10f: {  	v3 =	vld [tilespmem:$0xA8];
	_ =	sdelay $0x4  }
0x110: {  	v41 =	vshll.u32 v3, $0x3  }
0x111: {  	v3 =	vand.u32 $0x7, v3;
	v4 =	vand.u32 $0xFFFFFFC0, v41  }
0x112: {  	v3 =	vor.u32 v3, v4  }
0x113: {  	v4 =	vperm.xlane v3, v0;
	_ =	sdelay $0x1  }
0x114: {  	v4 =	vadd.s32 v1, v4;
	_ =	sdelay $0x3  }
0x115: {  	s1 =	simm.s32 $0xC200  }
0x116: {  	[tilespmem:s1], [sflag:$0x1] =	stream.indirect_vreg.gather [hbm4b:s2+s3], $0x80, v4, vm0, $0xb8;
	[tilespmem:$0x1E200] =	vst v63  }
0x117: {  	v3 =	vperm.xlane v3, v2;
	s1 =	simm.s32 $0xCA00  }
0x118: {  	[tilespmem:s1], [sflag:$0x1] =	stream.indirect_vreg.gather [hbm4b:s5+s3], $0x80, v4, vm0, $0xb8;
	[tilespmem:$0x1E200] =	vst v63  }
0x119: {  	v3 =	vadd.s32 v1, v3;
	s1 =	simm.s32 $0xD200  }
0x11a: {  	[tilespmem:s1], [sflag:$0x1] =	stream.indirect_vreg.gather [hbm4b:s6+s3], $0x80, v4, vm0, $0xb8;
	[tilespmem:$0x1E200] =	vst v63  }
0x11b: {  	s1 =	simm.s32 $0xDA00  }
0x11c: {  	[tilespmem:s1], [sflag:$0x1] =	stream.indirect_vreg.gather [hbm4b:s7+s3], $0x80, v4, vm0, $0xb8;
	[tilespmem:$0x1E200] =	vst v63  }
0x11d: {  	s1 =	simm.s32 $0xE200  }
0x11e: {  	[tilespmem:s1], [sflag:$0x1] =	stream.indirect_vreg.gather [hbm4b:s2+s3], $0x80, v3, vm0, $0xb8;
	[tilespmem:$0x1E200] =	vst v63  }
0x11f: {  	s1 =	simm.s32 $0xEA00  }
0x120: {  	[tilespmem:s1], [sflag:$0x1] =	stream.indirect_vreg.gather [hbm4b:s5+s3], $0x80, v3, vm0, $0xb8;
	[tilespmem:$0x1E200] =	vst v63  }
0x121: {  	s1 =	simm.s32 $0xF200  }
0x122: {  	[tilespmem:s1], [sflag:$0x1] =	stream.indirect_vreg.gather [hbm4b:s6+s3], $0x80, v3, vm0, $0xb8;
	[tilespmem:$0x1E200] =	vst v63  }
0x123: {  	s1 =	simm.s32 $0xFA00  }
0x124: {  	[tilespmem:s1], [sflag:$0x1] =	stream.indirect_vreg.gather [hbm4b:s7+s3], $0x80, v3, vm0, $0xb8;
	[tilespmem:$0x1E200] =	vst v63  }
0x125: {  	_ =	swait.ge [sflag:s29], $0xE000  }
0x126: {  	[sflag:s29] =	ssyncset.done $0x0  }
0x127: {  	s1 =	simm.s32 $0x10200;
	s0 =	rddreg [dreg:$0x6];
	[sflag:s29] =	ssyncadd.s32 $0xFFFF2000  }
0x128: {  	[hbm4b:s0+s3] =	stream.linear.scatter [tilespmem:s1], [sflag:$0x4], $0xE000, $0x38;
	[tilespmem:$0x1E200] =	vst v63  }
0x129: {  	_ =	swait.ge [sflag:s30], $0xE000  }
0x12a: {  	[sflag:s30] =	ssyncset.done $0x0  }
0x12b: {  	[sflag:s30] =	ssyncadd.s32 $0xFFFF2000  }
0x12c: {  	v3 =	vld [tilespmem:$0xB8];
	_ =	sdelay $0x4  }
0x12d: {  	v42 =	vshll.u32 v3, $0x3  }
0x12e: {  	v3 =	vand.u32 $0x7, v3;
	v4 =	vand.u32 $0xFFFFFFC0, v42  }
0x12f: {  	v3 =	vor.u32 v3, v4  }
0x130: {  	v4 =	vperm.xlane v3, v0;
	_ =	sdelay $0x1  }
0x131: {  	v4 =	vadd.s32 v1, v4;
	_ =	sdelay $0x4  }
0x132: {  	[tilespmem:s1], [sflag:$0x2] =	stream.indirect_vreg.gather [hbm4b:s2+s3], $0x80, v4, vm0, $0xb8;
	[tilespmem:$0x1E200] =	vst v63  }
0x133: {  	v3 =	vperm.xlane v3, v2;
	s1 =	simm.s32 $0x10A00  }
0x134: {  	[tilespmem:s1], [sflag:$0x2] =	stream.indirect_vreg.gather [hbm4b:s5+s3], $0x80, v4, vm0, $0xb8;
	[tilespmem:$0x1E200] =	vst v63  }
0x135: {  	v3 =	vadd.s32 v1, v3;
	s1 =	simm.s32 $0x11200  }
0x136: {  	[tilespmem:s1], [sflag:$0x2] =	stream.indirect_vreg.gather [hbm4b:s6+s3], $0x80, v4, vm0, $0xb8;
	[tilespmem:$0x1E200] =	vst v63  }
0x137: {  	s1 =	simm.s32 $0x11A00  }
0x138: {  	[tilespmem:s1], [sflag:$0x2] =	stream.indirect_vreg.gather [hbm4b:s7+s3], $0x80, v4, vm0, $0xb8;
	[tilespmem:$0x1E200] =	vst v63  }
0x139: {  	s1 =	simm.s32 $0x12200  }
0x13a: {  	[tilespmem:s1], [sflag:$0x2] =	stream.indirect_vreg.gather [hbm4b:s2+s3], $0x80, v3, vm0, $0xb8;
	[tilespmem:$0x1E200] =	vst v63  }
0x13b: {  	s1 =	simm.s32 $0x12A00  }
0x13c: {  	[tilespmem:s1], [sflag:$0x2] =	stream.indirect_vreg.gather [hbm4b:s5+s3], $0x80, v3, vm0, $0xb8;
	[tilespmem:$0x1E200] =	vst v63  }
0x13d: {  	s1 =	simm.s32 $0x13200  }
0x13e: {  	[tilespmem:s1], [sflag:$0x2] =	stream.indirect_vreg.gather [hbm4b:s6+s3], $0x80, v3, vm0, $0xb8;
	[tilespmem:$0x1E200] =	vst v63  }
0x13f: {  	s1 =	simm.s32 $0x13A00  }
0x140: {  	[tilespmem:s1], [sflag:$0x2] =	stream.indirect_vreg.gather [hbm4b:s7+s3], $0x80, v3, vm0, $0xb8;
	[tilespmem:$0x1E200] =	vst v63  }
0x141: {  	v3 =	vld [tilespmem:$0xC8];
	_ =	sdelay $0x4  }
0x142: {  	v43 =	vshll.u32 v3, $0x3  }
0x143: {  	v3 =	vand.u32 $0x7, v3;
	v4 =	vand.u32 $0xFFFFFFC0, v43  }
0x144: {  	v3 =	vor.u32 v3, v4  }
0x145: {  	v4 =	vperm.xlane v3, v0;
	_ =	sdelay $0x1  }
0x146: {  	v4 =	vadd.s32 v1, v4;
	_ =	sdelay $0x3  }
0x147: {  	s1 =	simm.s32 $0x14200  }
0x148: {  	[tilespmem:s1], [sflag:$0x2] =	stream.indirect_vreg.gather [hbm4b:s2+s3], $0x80, v4, vm0, $0xb8;
	[tilespmem:$0x1E200] =	vst v63  }
0x149: {  	v3 =	vperm.xlane v3, v2;
	s1 =	simm.s32 $0x14A00  }
0x14a: {  	[tilespmem:s1], [sflag:$0x2] =	stream.indirect_vreg.gather [hbm4b:s5+s3], $0x80, v4, vm0, $0xb8;
	[tilespmem:$0x1E200] =	vst v63  }
0x14b: {  	v3 =	vadd.s32 v1, v3;
	s1 =	simm.s32 $0x15200  }
0x14c: {  	[tilespmem:s1], [sflag:$0x2] =	stream.indirect_vreg.gather [hbm4b:s6+s3], $0x80, v4, vm0, $0xb8;
	[tilespmem:$0x1E200] =	vst v63  }
0x14d: {  	s1 =	simm.s32 $0x15A00  }
0x14e: {  	[tilespmem:s1], [sflag:$0x2] =	stream.indirect_vreg.gather [hbm4b:s7+s3], $0x80, v4, vm0, $0xb8;
	[tilespmem:$0x1E200] =	vst v63  }
0x14f: {  	s1 =	simm.s32 $0x16200  }
0x150: {  	[tilespmem:s1], [sflag:$0x2] =	stream.indirect_vreg.gather [hbm4b:s2+s3], $0x80, v3, vm0, $0xb8;
	[tilespmem:$0x1E200] =	vst v63  }
0x151: {  	s1 =	simm.s32 $0x16A00  }
0x152: {  	[tilespmem:s1], [sflag:$0x2] =	stream.indirect_vreg.gather [hbm4b:s5+s3], $0x80, v3, vm0, $0xb8;
	[tilespmem:$0x1E200] =	vst v63  }
0x153: {  	s1 =	simm.s32 $0x17200  }
0x154: {  	[tilespmem:s1], [sflag:$0x2] =	stream.indirect_vreg.gather [hbm4b:s6+s3], $0x80, v3, vm0, $0xb8;
	[tilespmem:$0x1E200] =	vst v63  }
0x155: {  	s1 =	simm.s32 $0x17A00  }
0x156: {  	[tilespmem:s1], [sflag:$0x2] =	stream.indirect_vreg.gather [hbm4b:s7+s3], $0x80, v3, vm0, $0xb8;
	[tilespmem:$0x1E200] =	vst v63  }
0x157: {  	v3 =	vld [tilespmem:$0xD8];
	_ =	sdelay $0x4  }
0x158: {  	v44 =	vshll.u32 v3, $0x3  }
0x159: {  	v3 =	vand.u32 $0x7, v3;
	v4 =	vand.u32 $0xFFFFFFC0, v44  }
0x15a: {  	v3 =	vor.u32 v3, v4  }
0x15b: {  	v4 =	vperm.xlane v3, v0;
	_ =	sdelay $0x1  }
0x15c: {  	v4 =	vadd.s32 v1, v4;
	_ =	sdelay $0x3  }
0x15d: {  	s1 =	simm.s32 $0x18200  }
0x15e: {  	[tilespmem:s1], [sflag:$0x2] =	stream.indirect_vreg.gather [hbm4b:s2+s3], $0x80, v4, vm0, $0xb8;
	[tilespmem:$0x1E200] =	vst v63  }
0x15f: {  	v3 =	vperm.xlane v3, v2;
	s1 =	simm.s32 $0x18A00  }
0x160: {  	[tilespmem:s1], [sflag:$0x2] =	stream.indirect_vreg.gather [hbm4b:s5+s3], $0x80, v4, vm0, $0xb8;
	[tilespmem:$0x1E200] =	vst v63  }
0x161: {  	v3 =	vadd.s32 v1, v3;
	s1 =	simm.s32 $0x19200  }
0x162: {  	[tilespmem:s1], [sflag:$0x2] =	stream.indirect_vreg.gather [hbm4b:s6+s3], $0x80, v4, vm0, $0xb8;
	[tilespmem:$0x1E200] =	vst v63  }
0x163: {  	s1 =	simm.s32 $0x19A00  }
0x164: {  	[tilespmem:s1], [sflag:$0x2] =	stream.indirect_vreg.gather [hbm4b:s7+s3], $0x80, v4, vm0, $0xb8;
	[tilespmem:$0x1E200] =	vst v63  }
0x165: {  	s1 =	simm.s32 $0x1A200  }
0x166: {  	[tilespmem:s1], [sflag:$0x2] =	stream.indirect_vreg.gather [hbm4b:s2+s3], $0x80, v3, vm0, $0xb8;
	[tilespmem:$0x1E200] =	vst v63  }
0x167: {  	s1 =	simm.s32 $0x1AA00  }
0x168: {  	[tilespmem:s1], [sflag:$0x2] =	stream.indirect_vreg.gather [hbm4b:s5+s3], $0x80, v3, vm0, $0xb8;
	[tilespmem:$0x1E200] =	vst v63  }
0x169: {  	s1 =	simm.s32 $0x1B200  }
0x16a: {  	[tilespmem:s1], [sflag:$0x2] =	stream.indirect_vreg.gather [hbm4b:s6+s3], $0x80, v3, vm0, $0xb8;
	[tilespmem:$0x1E200] =	vst v63  }
0x16b: {  	s1 =	simm.s32 $0x1BA00  }
0x16c: {  	[tilespmem:s1], [sflag:$0x2] =	stream.indirect_vreg.gather [hbm4b:s7+s3], $0x80, v3, vm0, $0xb8;
	[tilespmem:$0x1E200] =	vst v63  }
0x16d: {  	v3 =	vld.msk [tilespmem:$0xE8], $0xff;
	_ =	sdelay $0x4  }
0x16e: {  	v45 =	vshll.u32 v3, $0x3  }
0x16f: {  	v3 =	vand.u32 $0x7, v3;
	v4 =	vand.u32 $0xFFFFFFC0, v45  }
0x170: {  	v3 =	vor.u32 v3, v4  }
0x171: {  	v3 =	vperm.xlane v3, v0;
	_ =	sdelay $0x1  }
0x172: {  	v3 =	vadd.s32 v1, v3;
	_ =	sdelay $0x3  }
0x173: {  	s1 =	simm.s32 $0x1C200  }
0x174: {  	[tilespmem:s1], [sflag:$0x2] =	stream.indirect_vreg.gather [hbm4b:s2+s3], $0x80, v3, vm0, $0xb8;
	[tilespmem:$0x1E200] =	vst v63  }
0x175: {  	s1 =	simm.s32 $0x1CA00  }
0x176: {  	[tilespmem:s1], [sflag:$0x2] =	stream.indirect_vreg.gather [hbm4b:s5+s3], $0x80, v3, vm0, $0xb8;
	[tilespmem:$0x1E200] =	vst v63  }
0x177: {  	s1 =	simm.s32 $0x1D200  }
0x178: {  	[tilespmem:s1], [sflag:$0x2] =	stream.indirect_vreg.gather [hbm4b:s6+s3], $0x80, v3, vm0, $0xb8;
	[tilespmem:$0x1E200] =	vst v63  }
0x179: {  	s1 =	simm.s32 $0x1DA00  }
0x17a: {  	[tilespmem:s1], [sflag:$0x2] =	stream.indirect_vreg.gather [hbm4b:s7+s3], $0x80, v3, vm0, $0xb8;
	[tilespmem:$0x1E200] =	vst v63  }
0x17b: {  	_ =	swait.ge [sflag:s4], $0x10000  }
0x17c: {  	[sflag:s4] =	ssyncset.done $0x0  }
0x17d: {  	s1 =	simm.s32 $0x200;
	s0 =	rddreg [dreg:$0x7];
	[sflag:s4] =	ssyncadd.s32 $0xFFFF0000  }
0x17e: {  	[hbm4b:s0+s3] =	stream.linear.scatter [tilespmem:s1], [sflag:$0x3], $0x10000, $0x38;
	[tilespmem:$0x1E200] =	vst v63  }
0x17f: {  	_ =	swait.ge [sflag:s28], $0x10000  }
0x180: {  	[sflag:s28] =	ssyncset.done $0x0  }
0x181: {  	[sflag:s28] =	ssyncadd.s32 $0xFFFF0000  }
0x182: {  	v3 =	vld [tilespmem:$0xF0];
	_ =	sdelay $0x4  }
0x183: {  	v46 =	vshll.u32 v3, $0x3  }
0x184: {  	v3 =	vand.u32 $0x7, v3;
	v4 =	vand.u32 $0xFFFFFFC0, v46  }
0x185: {  	v3 =	vor.u32 v3, v4  }
0x186: {  	v4 =	vperm.xlane v3, v0;
	_ =	sdelay $0x1  }
0x187: {  	v4 =	vadd.s32 v1, v4;
	_ =	sdelay $0x4  }
0x188: {  	[tilespmem:s1], [sflag:$0x1] =	stream.indirect_vreg.gather [hbm4b:s2+s3], $0x80, v4, vm0, $0xb8;
	[tilespmem:$0x1E200] =	vst v63  }
0x189: {  	v3 =	vperm.xlane v3, v2  }
0x18a: {  	[tilespmem:s19], [sflag:$0x1] =	stream.indirect_vreg.gather [hbm4b:s5+s3], $0x80, v4, vm0, $0xb8;
	[tilespmem:$0x1E200] =	vst v63  }
0x18b: {  	v3 =	vadd.s32 v1, v3  }
0x18c: {  	[tilespmem:s31], [sflag:$0x1] =	stream.indirect_vreg.gather [hbm4b:s6+s3], $0x80, v4, vm0, $0xb8;
	[tilespmem:$0x1E200] =	vst v63  }
0x18d: {  	_ = 	snop  }
0x18e: {  	[tilespmem:s9], [sflag:$0x1] =	stream.indirect_vreg.gather [hbm4b:s7+s3], $0x80, v4, vm0, $0xb8;
	[tilespmem:$0x1E200] =	vst v63  }
0x18f: {  	_ = 	snop  }
0x190: {  	[tilespmem:s26], [sflag:$0x1] =	stream.indirect_vreg.gather [hbm4b:s2+s3], $0x80, v3, vm0, $0xb8;
	[tilespmem:$0x1E200] =	vst v63  }
0x191: {  	_ = 	snop  }
0x192: {  	[tilespmem:s12], [sflag:$0x1] =	stream.indirect_vreg.gather [hbm4b:s5+s3], $0x80, v3, vm0, $0xb8;
	[tilespmem:$0x1E200] =	vst v63  }
0x193: {  	_ = 	snop  }
0x194: {  	[tilespmem:s13], [sflag:$0x1] =	stream.indirect_vreg.gather [hbm4b:s6+s3], $0x80, v3, vm0, $0xb8;
	[tilespmem:$0x1E200] =	vst v63  }
0x195: {  	_ = 	snop  }
0x196: {  	[tilespmem:s20], [sflag:$0x1] =	stream.indirect_vreg.gather [hbm4b:s7+s3], $0x80, v3, vm0, $0xb8;
	[tilespmem:$0x1E200] =	vst v63  }
0x197: {  	v3 =	vld [tilespmem:$0x100];
	_ =	sdelay $0x4  }
0x198: {  	v47 =	vshll.u32 v3, $0x3  }
0x199: {  	v3 =	vand.u32 $0x7, v3;
	v4 =	vand.u32 $0xFFFFFFC0, v47  }
0x19a: {  	v3 =	vor.u32 v3, v4  }
0x19b: {  	v4 =	vperm.xlane v3, v0;
	_ =	sdelay $0x1  }
0x19c: {  	v4 =	vadd.s32 v1, v4;
	_ =	sdelay $0x4  }
0x19d: {  	[tilespmem:s21], [sflag:$0x1] =	stream.indirect_vreg.gather [hbm4b:s2+s3], $0x80, v4, vm0, $0xb8;
	[tilespmem:$0x1E200] =	vst v63  }
0x19e: {  	v3 =	vperm.xlane v3, v2  }
0x19f: {  	[tilespmem:s22], [sflag:$0x1] =	stream.indirect_vreg.gather [hbm4b:s5+s3], $0x80, v4, vm0, $0xb8;
	[tilespmem:$0x1E200] =	vst v63  }
0x1a0: {  	v3 =	vadd.s32 v1, v3  }
0x1a1: {  	[tilespmem:s14], [sflag:$0x1] =	stream.indirect_vreg.gather [hbm4b:s6+s3], $0x80, v4, vm0, $0xb8;
	[tilespmem:$0x1E200] =	vst v63  }
0x1a2: {  	_ = 	snop  }
0x1a3: {  	[tilespmem:s15], [sflag:$0x1] =	stream.indirect_vreg.gather [hbm4b:s7+s3], $0x80, v4, vm0, $0xb8;
	[tilespmem:$0x1E200] =	vst v63  }
0x1a4: {  	_ = 	snop  }
0x1a5: {  	[tilespmem:s16], [sflag:$0x1] =	stream.indirect_vreg.gather [hbm4b:s2+s3], $0x80, v3, vm0, $0xb8;
	[tilespmem:$0x1E200] =	vst v63  }
0x1a6: {  	_ = 	snop  }
0x1a7: {  	[tilespmem:s17], [sflag:$0x1] =	stream.indirect_vreg.gather [hbm4b:s5+s3], $0x80, v3, vm0, $0xb8;
	[tilespmem:$0x1E200] =	vst v63  }
0x1a8: {  	_ = 	snop  }
0x1a9: {  	[tilespmem:s18], [sflag:$0x1] =	stream.indirect_vreg.gather [hbm4b:s6+s3], $0x80, v3, vm0, $0xb8;
	[tilespmem:$0x1E200] =	vst v63  }
0x1aa: {  	_ = 	snop  }
0x1ab: {  	[tilespmem:s23], [sflag:$0x1] =	stream.indirect_vreg.gather [hbm4b:s7+s3], $0x80, v3, vm0, $0xb8;
	[tilespmem:$0x1E200] =	vst v63  }
0x1ac: {  	v3 =	vld [tilespmem:$0x110];
	_ =	sdelay $0x4  }
0x1ad: {  	v48 =	vshll.u32 v3, $0x3  }
0x1ae: {  	v3 =	vand.u32 $0x7, v3;
	v4 =	vand.u32 $0xFFFFFFC0, v48  }
0x1af: {  	v3 =	vor.u32 v3, v4  }
0x1b0: {  	v4 =	vperm.xlane v3, v0;
	_ =	sdelay $0x1  }
0x1b1: {  	v4 =	vadd.s32 v1, v4;
	_ =	sdelay $0x3  }
0x1b2: {  	s18 =	simm.s32 $0x8200  }
0x1b3: {  	[tilespmem:s18], [sflag:$0x1] =	stream.indirect_vreg.gather [hbm4b:s2+s3], $0x80, v4, vm0, $0xb8;
	[tilespmem:$0x1E200] =	vst v63  }
0x1b4: {  	s19 =	simm.s32 $0x8A00;
	v3 =	vperm.xlane v3, v2  }
0x1b5: {  	[tilespmem:s19], [sflag:$0x1] =	stream.indirect_vreg.gather [hbm4b:s5+s3], $0x80, v4, vm0, $0xb8;
	[tilespmem:$0x1E200] =	vst v63  }
0x1b6: {  	v3 =	vadd.s32 v1, v3  }
0x1b7: {  	[tilespmem:s11], [sflag:$0x1] =	stream.indirect_vreg.gather [hbm4b:s6+s3], $0x80, v4, vm0, $0xb8;
	[tilespmem:$0x1E200] =	vst v63  }
0x1b8: {  	_ = 	snop  }
0x1b9: {  	[tilespmem:s24], [sflag:$0x1] =	stream.indirect_vreg.gather [hbm4b:s7+s3], $0x80, v4, vm0, $0xb8;
	[tilespmem:$0x1E200] =	vst v63  }
0x1ba: {  	_ = 	snop  }
0x1bb: {  	[tilespmem:s25], [sflag:$0x1] =	stream.indirect_vreg.gather [hbm4b:s2+s3], $0x80, v3, vm0, $0xb8;
	[tilespmem:$0x1E200] =	vst v63  }
0x1bc: {  	_ = 	snop  }
0x1bd: {  	[tilespmem:s10], [sflag:$0x1] =	stream.indirect_vreg.gather [hbm4b:s5+s3], $0x80, v3, vm0, $0xb8;
	[tilespmem:$0x1E200] =	vst v63  }
0x1be: {  	s20 =	simm.s32 $0xB200  }
0x1bf: {  	[tilespmem:s20], [sflag:$0x1] =	stream.indirect_vreg.gather [hbm4b:s6+s3], $0x80, v3, vm0, $0xb8;
	[tilespmem:$0x1E200] =	vst v63  }
0x1c0: {  	s21 =	simm.s32 $0xBA00  }
0x1c1: {  	[tilespmem:s21], [sflag:$0x1] =	stream.indirect_vreg.gather [hbm4b:s7+s3], $0x80, v3, vm0, $0xb8;
	[tilespmem:$0x1E200] =	vst v63  }
0x1c2: {  	v3 =	vld [tilespmem:$0x120];
	_ =	sdelay $0x4  }
0x1c3: {  	v49 =	vshll.u32 v3, $0x3  }
0x1c4: {  	v3 =	vand.u32 $0x7, v3;
	v4 =	vand.u32 $0xFFFFFFC0, v49  }
0x1c5: {  	v3 =	vor.u32 v3, v4  }
0x1c6: {  	v4 =	vperm.xlane v3, v0;
	_ =	sdelay $0x1  }
0x1c7: {  	v4 =	vadd.s32 v1, v4;
	_ =	sdelay $0x3  }
0x1c8: {  	s25 =	simm.s32 $0xC200  }
0x1c9: {  	[tilespmem:s25], [sflag:$0x1] =	stream.indirect_vreg.gather [hbm4b:s2+s3], $0x80, v4, vm0, $0xb8;
	[tilespmem:$0x1E200] =	vst v63  }
0x1ca: {  	s1 =	simm.s32 $0xCA00;
	v3 =	vperm.xlane v3, v2  }
0x1cb: {  	[tilespmem:s1], [sflag:$0x1] =	stream.indirect_vreg.gather [hbm4b:s5+s3], $0x80, v4, vm0, $0xb8;
	[tilespmem:$0x1E200] =	vst v63  }
0x1cc: {  	s9 =	simm.s32 $0xD200;
	v3 =	vadd.s32 v1, v3  }
0x1cd: {  	[tilespmem:s9], [sflag:$0x1] =	stream.indirect_vreg.gather [hbm4b:s6+s3], $0x80, v4, vm0, $0xb8;
	[tilespmem:$0x1E200] =	vst v63  }
0x1ce: {  	s10 =	simm.s32 $0xDA00  }
0x1cf: {  	[tilespmem:s10], [sflag:$0x1] =	stream.indirect_vreg.gather [hbm4b:s7+s3], $0x80, v4, vm0, $0xb8;
	[tilespmem:$0x1E200] =	vst v63  }
0x1d0: {  	s12 =	simm.s32 $0xE200  }
0x1d1: {  	[tilespmem:s12], [sflag:$0x1] =	stream.indirect_vreg.gather [hbm4b:s2+s3], $0x80, v3, vm0, $0xb8;
	[tilespmem:$0x1E200] =	vst v63  }
0x1d2: {  	s13 =	simm.s32 $0xEA00  }
0x1d3: {  	[tilespmem:s13], [sflag:$0x1] =	stream.indirect_vreg.gather [hbm4b:s5+s3], $0x80, v3, vm0, $0xb8;
	[tilespmem:$0x1E200] =	vst v63  }
0x1d4: {  	s17 =	simm.s32 $0xF200  }
0x1d5: {  	[tilespmem:s17], [sflag:$0x1] =	stream.indirect_vreg.gather [hbm4b:s6+s3], $0x80, v3, vm0, $0xb8;
	[tilespmem:$0x1E200] =	vst v63  }
0x1d6: {  	s18 =	simm.s32 $0xFA00  }
0x1d7: {  	[tilespmem:s18], [sflag:$0x1] =	stream.indirect_vreg.gather [hbm4b:s7+s3], $0x80, v3, vm0, $0xb8;
	[tilespmem:$0x1E200] =	vst v63  }
0x1d8: {  	_ =	swait.ge [sflag:s29], $0xE000  }
0x1d9: {  	[sflag:s29] =	ssyncset.done $0x0  }
0x1da: {  	s21 =	simm.s32 $0x10200;
	s20 =	rddreg [dreg:$0x8];
	[sflag:s29] =	ssyncadd.s32 $0xFFFF2000  }
0x1db: {  	[hbm4b:s20+s3] =	stream.linear.scatter [tilespmem:s21], [sflag:$0x4], $0xE000, $0x38;
	[tilespmem:$0x1E200] =	vst v63  }
0x1dc: {  	_ =	swait.ge [sflag:s30], $0xE000  }
0x1dd: {  	[sflag:s30] =	ssyncset.done $0x0  }
0x1de: {  	[sflag:s30] =	ssyncadd.s32 $0xFFFF2000  }
0x1df: {  	v3 =	vld [tilespmem:$0x130];
	_ =	sdelay $0x4  }
0x1e0: {  	v50 =	vshll.u32 v3, $0x3  }
0x1e1: {  	v3 =	vand.u32 $0x7, v3;
	v4 =	vand.u32 $0xFFFFFFC0, v50  }
0x1e2: {  	v3 =	vor.u32 v3, v4  }
0x1e3: {  	v4 =	vperm.xlane v3, v0;
	_ =	sdelay $0x1  }
0x1e4: {  	v4 =	vadd.s32 v1, v4;
	_ =	sdelay $0x4  }
0x1e5: {  	[tilespmem:s21], [sflag:$0x2] =	stream.indirect_vreg.gather [hbm4b:s2+s3], $0x80, v4, vm0, $0xb8;
	[tilespmem:$0x1E200] =	vst v63  }
0x1e6: {  	s1 =	simm.s32 $0x10A00;
	v3 =	vperm.xlane v3, v2  }
0x1e7: {  	[tilespmem:s1], [sflag:$0x2] =	stream.indirect_vreg.gather [hbm4b:s5+s3], $0x80, v4, vm0, $0xb8;
	[tilespmem:$0x1E200] =	vst v63  }
0x1e8: {  	s9 =	simm.s32 $0x11200;
	v3 =	vadd.s32 v1, v3  }
0x1e9: {  	[tilespmem:s9], [sflag:$0x2] =	stream.indirect_vreg.gather [hbm4b:s6+s3], $0x80, v4, vm0, $0xb8;
	[tilespmem:$0x1E200] =	vst v63  }
0x1ea: {  	s9 =	simm.s32 $0x11A00  }
0x1eb: {  	[tilespmem:s9], [sflag:$0x2] =	stream.indirect_vreg.gather [hbm4b:s7+s3], $0x80, v4, vm0, $0xb8;
	[tilespmem:$0x1E200] =	vst v63  }
0x1ec: {  	s20 =	simm.s32 $0x12200  }
0x1ed: {  	[tilespmem:s20], [sflag:$0x2] =	stream.indirect_vreg.gather [hbm4b:s2+s3], $0x80, v3, vm0, $0xb8;
	[tilespmem:$0x1E200] =	vst v63  }
0x1ee: {  	s21 =	simm.s32 $0x12A00  }
0x1ef: {  	[tilespmem:s21], [sflag:$0x2] =	stream.indirect_vreg.gather [hbm4b:s5+s3], $0x80, v3, vm0, $0xb8;
	[tilespmem:$0x1E200] =	vst v63  }
0x1f0: {  	s1 =	simm.s32 $0x13200  }
0x1f1: {  	[tilespmem:s1], [sflag:$0x2] =	stream.indirect_vreg.gather [hbm4b:s6+s3], $0x80, v3, vm0, $0xb8;
	[tilespmem:$0x1E200] =	vst v63  }
0x1f2: {  	s20 =	simm.s32 $0x13A00  }
0x1f3: {  	[tilespmem:s20], [sflag:$0x2] =	stream.indirect_vreg.gather [hbm4b:s7+s3], $0x80, v3, vm0, $0xb8;
	[tilespmem:$0x1E200] =	vst v63  }
0x1f4: {  	v3 =	vld [tilespmem:$0x140];
	_ =	sdelay $0x4  }
0x1f5: {  	v51 =	vshll.u32 v3, $0x3  }
0x1f6: {  	v3 =	vand.u32 $0x7, v3;
	v4 =	vand.u32 $0xFFFFFFC0, v51  }
0x1f7: {  	v3 =	vor.u32 v3, v4  }
0x1f8: {  	v4 =	vperm.xlane v3, v0;
	_ =	sdelay $0x1  }
0x1f9: {  	v4 =	vadd.s32 v1, v4;
	_ =	sdelay $0x3  }
0x1fa: {  	s21 =	simm.s32 $0x14200  }
0x1fb: {  	[tilespmem:s21], [sflag:$0x2] =	stream.indirect_vreg.gather [hbm4b:s2+s3], $0x80, v4, vm0, $0xb8;
	[tilespmem:$0x1E200] =	vst v63  }
0x1fc: {  	s1 =	simm.s32 $0x14A00;
	v3 =	vperm.xlane v3, v2  }
0x1fd: {  	[tilespmem:s1], [sflag:$0x2] =	stream.indirect_vreg.gather [hbm4b:s5+s3], $0x80, v4, vm0, $0xb8;
	[tilespmem:$0x1E200] =	vst v63  }
0x1fe: {  	s20 =	simm.s32 $0x15200;
	v3 =	vadd.s32 v1, v3  }
0x1ff: {  	[tilespmem:s20], [sflag:$0x2] =	stream.indirect_vreg.gather [hbm4b:s6+s3], $0x80, v4, vm0, $0xb8;
	[tilespmem:$0x1E200] =	vst v63  }
0x200: {  	s21 =	simm.s32 $0x15A00  }
0x201: {  	[tilespmem:s21], [sflag:$0x2] =	stream.indirect_vreg.gather [hbm4b:s7+s3], $0x80, v4, vm0, $0xb8;
	[tilespmem:$0x1E200] =	vst v63  }
0x202: {  	s1 =	simm.s32 $0x16200  }
0x203: {  	[tilespmem:s1], [sflag:$0x2] =	stream.indirect_vreg.gather [hbm4b:s2+s3], $0x80, v3, vm0, $0xb8;
	[tilespmem:$0x1E200] =	vst v63  }
0x204: {  	s20 =	simm.s32 $0x16A00  }
0x205: {  	[tilespmem:s20], [sflag:$0x2] =	stream.indirect_vreg.gather [hbm4b:s5+s3], $0x80, v3, vm0, $0xb8;
	[tilespmem:$0x1E200] =	vst v63  }
0x206: {  	s21 =	simm.s32 $0x17200  }
0x207: {  	[tilespmem:s21], [sflag:$0x2] =	stream.indirect_vreg.gather [hbm4b:s6+s3], $0x80, v3, vm0, $0xb8;
	[tilespmem:$0x1E200] =	vst v63  }
0x208: {  	s1 =	simm.s32 $0x17A00  }
0x209: {  	[tilespmem:s1], [sflag:$0x2] =	stream.indirect_vreg.gather [hbm4b:s7+s3], $0x80, v3, vm0, $0xb8;
	[tilespmem:$0x1E200] =	vst v63  }
0x20a: {  	v3 =	vld [tilespmem:$0x150];
	_ =	sdelay $0x4  }
0x20b: {  	v52 =	vshll.u32 v3, $0x3  }
0x20c: {  	v3 =	vand.u32 $0x7, v3;
	v4 =	vand.u32 $0xFFFFFFC0, v52  }
0x20d: {  	v3 =	vor.u32 v3, v4  }
0x20e: {  	v4 =	vperm.xlane v3, v0;
	_ =	sdelay $0x1  }
0x20f: {  	v4 =	vadd.s32 v1, v4;
	_ =	sdelay $0x3  }
0x210: {  	s20 =	simm.s32 $0x18200  }
0x211: {  	[tilespmem:s20], [sflag:$0x2] =	stream.indirect_vreg.gather [hbm4b:s2+s3], $0x80, v4, vm0, $0xb8;
	[tilespmem:$0x1E200] =	vst v63  }
0x212: {  	s21 =	simm.s32 $0x18A00;
	v3 =	vperm.xlane v3, v2  }
0x213: {  	[tilespmem:s21], [sflag:$0x2] =	stream.indirect_vreg.gather [hbm4b:s5+s3], $0x80, v4, vm0, $0xb8;
	[tilespmem:$0x1E200] =	vst v63  }
0x214: {  	s1 =	simm.s32 $0x19200;
	v3 =	vadd.s32 v1, v3  }
0x215: {  	[tilespmem:s1], [sflag:$0x2] =	stream.indirect_vreg.gather [hbm4b:s6+s3], $0x80, v4, vm0, $0xb8;
	[tilespmem:$0x1E200] =	vst v63  }
0x216: {  	s20 =	simm.s32 $0x19A00  }
0x217: {  	[tilespmem:s20], [sflag:$0x2] =	stream.indirect_vreg.gather [hbm4b:s7+s3], $0x80, v4, vm0, $0xb8;
	[tilespmem:$0x1E200] =	vst v63  }
0x218: {  	s21 =	simm.s32 $0x1A200  }
0x219: {  	[tilespmem:s21], [sflag:$0x2] =	stream.indirect_vreg.gather [hbm4b:s2+s3], $0x80, v3, vm0, $0xb8;
	[tilespmem:$0x1E200] =	vst v63  }
0x21a: {  	s1 =	simm.s32 $0x1AA00  }
0x21b: {  	[tilespmem:s1], [sflag:$0x2] =	stream.indirect_vreg.gather [hbm4b:s5+s3], $0x80, v3, vm0, $0xb8;
	[tilespmem:$0x1E200] =	vst v63  }
0x21c: {  	s20 =	simm.s32 $0x1B200  }
0x21d: {  	[tilespmem:s20], [sflag:$0x2] =	stream.indirect_vreg.gather [hbm4b:s6+s3], $0x80, v3, vm0, $0xb8;
	[tilespmem:$0x1E200] =	vst v63  }
0x21e: {  	s21 =	simm.s32 $0x1BA00  }
0x21f: {  	[tilespmem:s21], [sflag:$0x2] =	stream.indirect_vreg.gather [hbm4b:s7+s3], $0x80, v3, vm0, $0xb8;
	[tilespmem:$0x1E200] =	vst v63  }
0x220: {  	v3 =	vld.msk [tilespmem:$0x160], $0xff;
	_ =	sdelay $0x4  }
0x221: {  	v53 =	vshll.u32 v3, $0x3  }
0x222: {  	v3 =	vand.u32 $0x7, v3;
	v4 =	vand.u32 $0xFFFFFFC0, v53  }
0x223: {  	v3 =	vor.u32 v3, v4  }
0x224: {  	v3 =	vperm.xlane v3, v0;
	_ =	sdelay $0x1  }
0x225: {  	v3 =	vadd.s32 v1, v3;
	_ =	sdelay $0x3  }
0x226: {  	s1 =	simm.s32 $0x1C200  }
0x227: {  	[tilespmem:s1], [sflag:$0x2] =	stream.indirect_vreg.gather [hbm4b:s2+s3], $0x80, v3, vm0, $0xb8;
	[tilespmem:$0x1E200] =	vst v63  }
0x228: {  	s20 =	simm.s32 $0x1CA00  }
0x229: {  	[tilespmem:s20], [sflag:$0x2] =	stream.indirect_vreg.gather [hbm4b:s5+s3], $0x80, v3, vm0, $0xb8;
	[tilespmem:$0x1E200] =	vst v63  }
0x22a: {  	s21 =	simm.s32 $0x1D200  }
0x22b: {  	[tilespmem:s21], [sflag:$0x2] =	stream.indirect_vreg.gather [hbm4b:s6+s3], $0x80, v3, vm0, $0xb8;
	[tilespmem:$0x1E200] =	vst v63  }
0x22c: {  	s1 =	simm.s32 $0x1DA00  }
0x22d: {  	[tilespmem:s1], [sflag:$0x2] =	stream.indirect_vreg.gather [hbm4b:s7+s3], $0x80, v3, vm0, $0xb8;
	[tilespmem:$0x1E200] =	vst v63  }
0x22e: {  	_ =	swait.ge [sflag:s4], $0x10000  }
0x22f: {  	[sflag:s4] =	ssyncset.done $0x0  }
0x230: {  	s21 =	simm.s32 $0x200;
	s20 =	rddreg [dreg:$0x9];
	[sflag:s4] =	ssyncadd.s32 $0xFFFF0000  }
0x231: {  	[hbm4b:s20+s3] =	stream.linear.scatter [tilespmem:s21], [sflag:$0x3], $0x10000, $0x38;
	[tilespmem:$0x1E200] =	vst v63  }
0x232: {  	_ =	swait.ge [sflag:s28], $0x10000  }
0x233: {  	[sflag:s28] =	ssyncset.done $0x0  }
0x234: {  	[sflag:s28] =	ssyncadd.s32 $0xFFFF0000  }
0x235: {  	v3 =	vld [tilespmem:$0x168];
	_ =	sdelay $0x4  }
0x236: {  	v54 =	vshll.u32 v3, $0x3  }
0x237: {  	v3 =	vand.u32 $0x7, v3;
	v4 =	vand.u32 $0xFFFFFFC0, v54  }
0x238: {  	v3 =	vor.u32 v3, v4  }
0x239: {  	v4 =	vperm.xlane v3, v0;
	_ =	sdelay $0x1  }
0x23a: {  	v4 =	vadd.s32 v1, v4;
	_ =	sdelay $0x4  }
0x23b: {  	[tilespmem:s21], [sflag:$0x1] =	stream.indirect_vreg.gather [hbm4b:s2+s3], $0x80, v4, vm0, $0xb8;
	[tilespmem:$0x1E200] =	vst v63  }
0x23c: {  	s20 =	simm.s32 $0xA00;
	v3 =	vperm.xlane v3, v2  }
0x23d: {  	[tilespmem:s20], [sflag:$0x1] =	stream.indirect_vreg.gather [hbm4b:s5+s3], $0x80, v4, vm0, $0xb8;
	[tilespmem:$0x1E200] =	vst v63  }
0x23e: {  	s31 =	simm.s32 $0x1200;
	v3 =	vadd.s32 v1, v3  }
0x23f: {  	[tilespmem:s31], [sflag:$0x1] =	stream.indirect_vreg.gather [hbm4b:s6+s3], $0x80, v4, vm0, $0xb8;
	[tilespmem:$0x1E200] =	vst v63  }
0x240: {  	s21 =	simm.s32 $0x1A00  }
0x241: {  	[tilespmem:s21], [sflag:$0x1] =	stream.indirect_vreg.gather [hbm4b:s7+s3], $0x80, v4, vm0, $0xb8;
	[tilespmem:$0x1E200] =	vst v63  }
0x242: {  	s26 =	simm.s32 $0x2200  }
0x243: {  	[tilespmem:s26], [sflag:$0x1] =	stream.indirect_vreg.gather [hbm4b:s2+s3], $0x80, v3, vm0, $0xb8;
	[tilespmem:$0x1E200] =	vst v63  }
0x244: {  	s26 =	simm.s32 $0x2A00  }
0x245: {  	[tilespmem:s26], [sflag:$0x1] =	stream.indirect_vreg.gather [hbm4b:s5+s3], $0x80, v3, vm0, $0xb8;
	[tilespmem:$0x1E200] =	vst v63  }
0x246: {  	s0 =	simm.s32 $0x3200  }
0x247: {  	[tilespmem:s0], [sflag:$0x1] =	stream.indirect_vreg.gather [hbm4b:s6+s3], $0x80, v3, vm0, $0xb8;
	[tilespmem:$0x1E200] =	vst v63  }
0x248: {  	s0 =	simm.s32 $0x3A00  }
0x249: {  	[tilespmem:s0], [sflag:$0x1] =	stream.indirect_vreg.gather [hbm4b:s7+s3], $0x80, v3, vm0, $0xb8;
	[tilespmem:$0x1E200] =	vst v63  }
0x24a: {  	v3 =	vld [tilespmem:$0x178];
	_ =	sdelay $0x4  }
0x24b: {  	v55 =	vshll.u32 v3, $0x3  }
0x24c: {  	v3 =	vand.u32 $0x7, v3;
	v4 =	vand.u32 $0xFFFFFFC0, v55  }
0x24d: {  	v3 =	vor.u32 v3, v4  }
0x24e: {  	v4 =	vperm.xlane v3, v0;
	_ =	sdelay $0x1  }
0x24f: {  	v4 =	vadd.s32 v1, v4;
	_ =	sdelay $0x3  }
0x250: {  	s0 =	simm.s32 $0x4200  }
0x251: {  	[tilespmem:s0], [sflag:$0x1] =	stream.indirect_vreg.gather [hbm4b:s2+s3], $0x80, v4, vm0, $0xb8;
	[tilespmem:$0x1E200] =	vst v63  }
0x252: {  	v3 =	vperm.xlane v3, v2;
	s0 =	simm.s32 $0x4A00  }
0x253: {  	[tilespmem:s0], [sflag:$0x1] =	stream.indirect_vreg.gather [hbm4b:s5+s3], $0x80, v4, vm0, $0xb8;
	[tilespmem:$0x1E200] =	vst v63  }
0x254: {  	v3 =	vadd.s32 v1, v3;
	s0 =	simm.s32 $0x5200  }
0x255: {  	[tilespmem:s0], [sflag:$0x1] =	stream.indirect_vreg.gather [hbm4b:s6+s3], $0x80, v4, vm0, $0xb8;
	[tilespmem:$0x1E200] =	vst v63  }
0x256: {  	s0 =	simm.s32 $0x5A00  }
0x257: {  	[tilespmem:s0], [sflag:$0x1] =	stream.indirect_vreg.gather [hbm4b:s7+s3], $0x80, v4, vm0, $0xb8;
	[tilespmem:$0x1E200] =	vst v63  }
0x258: {  	s0 =	simm.s32 $0x6200  }
0x259: {  	[tilespmem:s0], [sflag:$0x1] =	stream.indirect_vreg.gather [hbm4b:s2+s3], $0x80, v3, vm0, $0xb8;
	[tilespmem:$0x1E200] =	vst v63  }
0x25a: {  	s0 =	simm.s32 $0x6A00  }
0x25b: {  	[tilespmem:s0], [sflag:$0x1] =	stream.indirect_vreg.gather [hbm4b:s5+s3], $0x80, v3, vm0, $0xb8;
	[tilespmem:$0x1E200] =	vst v63  }
0x25c: {  	s0 =	simm.s32 $0x7200  }
0x25d: {  	[tilespmem:s0], [sflag:$0x1] =	stream.indirect_vreg.gather [hbm4b:s6+s3], $0x80, v3, vm0, $0xb8;
	[tilespmem:$0x1E200] =	vst v63  }
0x25e: {  	s0 =	simm.s32 $0x7A00  }
0x25f: {  	[tilespmem:s0], [sflag:$0x1] =	stream.indirect_vreg.gather [hbm4b:s7+s3], $0x80, v3, vm0, $0xb8;
	[tilespmem:$0x1E200] =	vst v63  }
0x260: {  	v3 =	vld [tilespmem:$0x188];
	_ =	sdelay $0x4  }
0x261: {  	v56 =	vshll.u32 v3, $0x3  }
0x262: {  	v3 =	vand.u32 $0x7, v3;
	v4 =	vand.u32 $0xFFFFFFC0, v56  }
0x263: {  	v3 =	vor.u32 v3, v4  }
0x264: {  	v4 =	vperm.xlane v3, v0;
	_ =	sdelay $0x1  }
0x265: {  	v4 =	vadd.s32 v1, v4;
	_ =	sdelay $0x3  }
0x266: {  	s0 =	simm.s32 $0x8200  }
0x267: {  	[tilespmem:s0], [sflag:$0x1] =	stream.indirect_vreg.gather [hbm4b:s2+s3], $0x80, v4, vm0, $0xb8;
	[tilespmem:$0x1E200] =	vst v63  }
0x268: {  	v3 =	vperm.xlane v3, v2;
	s0 =	simm.s32 $0x8A00  }
0x269: {  	[tilespmem:s0], [sflag:$0x1] =	stream.indirect_vreg.gather [hbm4b:s5+s3], $0x80, v4, vm0, $0xb8;
	[tilespmem:$0x1E200] =	vst v63  }
0x26a: {  	s11 =	simm.s32 $0x9200;
	v3 =	vadd.s32 v1, v3  }
0x26b: {  	[tilespmem:s11], [sflag:$0x1] =	stream.indirect_vreg.gather [hbm4b:s6+s3], $0x80, v4, vm0, $0xb8;
	[tilespmem:$0x1E200] =	vst v63  }
0x26c: {  	s22 =	simm.s32 $0x9A00  }
0x26d: {  	[tilespmem:s22], [sflag:$0x1] =	stream.indirect_vreg.gather [hbm4b:s7+s3], $0x80, v4, vm0, $0xb8;
	[tilespmem:$0x1E200] =	vst v63  }
0x26e: {  	s23 =	simm.s32 $0xA200  }
0x26f: {  	[tilespmem:s23], [sflag:$0x1] =	stream.indirect_vreg.gather [hbm4b:s2+s3], $0x80, v3, vm0, $0xb8;
	[tilespmem:$0x1E200] =	vst v63  }
0x270: {  	s11 =	simm.s32 $0xAA00  }
0x271: {  	[tilespmem:s11], [sflag:$0x1] =	stream.indirect_vreg.gather [hbm4b:s5+s3], $0x80, v3, vm0, $0xb8;
	[tilespmem:$0x1E200] =	vst v63  }
0x272: {  	s24 =	simm.s32 $0xB200  }
0x273: {  	[tilespmem:s24], [sflag:$0x1] =	stream.indirect_vreg.gather [hbm4b:s6+s3], $0x80, v3, vm0, $0xb8;
	[tilespmem:$0x1E200] =	vst v63  }
0x274: {  	s14 =	simm.s32 $0xBA00  }
0x275: {  	[tilespmem:s14], [sflag:$0x1] =	stream.indirect_vreg.gather [hbm4b:s7+s3], $0x80, v3, vm0, $0xb8;
	[tilespmem:$0x1E200] =	vst v63  }
0x276: {  	v3 =	vld [tilespmem:$0x198];
	_ =	sdelay $0x4  }
0x277: {  	v57 =	vshll.u32 v3, $0x3  }
0x278: {  	v3 =	vand.u32 $0x7, v3;
	v4 =	vand.u32 $0xFFFFFFC0, v57  }
0x279: {  	v3 =	vor.u32 v3, v4  }
0x27a: {  	v4 =	vperm.xlane v3, v0;
	_ =	sdelay $0x1  }
0x27b: {  	v4 =	vadd.s32 v1, v4;
	_ =	sdelay $0x3  }
0x27c: {  	s15 =	simm.s32 $0xC200  }
0x27d: {  	[tilespmem:s15], [sflag:$0x1] =	stream.indirect_vreg.gather [hbm4b:s2+s3], $0x80, v4, vm0, $0xb8;
	[tilespmem:$0x1E200] =	vst v63  }
0x27e: {  	s16 =	simm.s32 $0xCA00;
	v3 =	vperm.xlane v3, v2  }
0x27f: {  	[tilespmem:s16], [sflag:$0x1] =	stream.indirect_vreg.gather [hbm4b:s5+s3], $0x80, v4, vm0, $0xb8;
	[tilespmem:$0x1E200] =	vst v63  }
0x280: {  	s25 =	simm.s32 $0xD200;
	v3 =	vadd.s32 v1, v3  }
0x281: {  	[tilespmem:s25], [sflag:$0x1] =	stream.indirect_vreg.gather [hbm4b:s6+s3], $0x80, v4, vm0, $0xb8;
	[tilespmem:$0x1E200] =	vst v63  }
0x282: {  	s19 =	simm.s32 $0xDA00  }
0x283: {  	[tilespmem:s19], [sflag:$0x1] =	stream.indirect_vreg.gather [hbm4b:s7+s3], $0x80, v4, vm0, $0xb8;
	[tilespmem:$0x1E200] =	vst v63  }
0x284: {  	s12 =	simm.s32 $0xE200  }
0x285: {  	[tilespmem:s12], [sflag:$0x1] =	stream.indirect_vreg.gather [hbm4b:s2+s3], $0x80, v3, vm0, $0xb8;
	[tilespmem:$0x1E200] =	vst v63  }
0x286: {  	s13 =	simm.s32 $0xEA00  }
0x287: {  	[tilespmem:s13], [sflag:$0x1] =	stream.indirect_vreg.gather [hbm4b:s5+s3], $0x80, v3, vm0, $0xb8;
	[tilespmem:$0x1E200] =	vst v63  }
0x288: {  	s17 =	simm.s32 $0xF200  }
0x289: {  	[tilespmem:s17], [sflag:$0x1] =	stream.indirect_vreg.gather [hbm4b:s6+s3], $0x80, v3, vm0, $0xb8;
	[tilespmem:$0x1E200] =	vst v63  }
0x28a: {  	s18 =	simm.s32 $0xFA00  }
0x28b: {  	[tilespmem:s18], [sflag:$0x1] =	stream.indirect_vreg.gather [hbm4b:s7+s3], $0x80, v3, vm0, $0xb8;
	[tilespmem:$0x1E200] =	vst v63  }
0x28c: {  	_ =	swait.ge [sflag:s29], $0xE000  }
0x28d: {  	[sflag:s29] =	ssyncset.done $0x0  }
0x28e: {  	s10 =	simm.s32 $0x10200;
	s15 =	rddreg [dreg:$0xa];
	[sflag:s29] =	ssyncadd.s32 $0xFFFF2000  }
0x28f: {  	[hbm4b:s15+s3] =	stream.linear.scatter [tilespmem:s10], [sflag:$0x4], $0xE000, $0x38;
	[tilespmem:$0x1E200] =	vst v63  }
0x290: {  	_ =	swait.ge [sflag:s30], $0xE000  }
0x291: {  	[sflag:s30] =	ssyncset.done $0x0  }
0x292: {  	[sflag:s30] =	ssyncadd.s32 $0xFFFF2000  }
0x293: {  	v3 =	vld [tilespmem:$0x1A8];
	_ =	sdelay $0x4  }
0x294: {  	v58 =	vshll.u32 v3, $0x3  }
0x295: {  	v3 =	vand.u32 $0x7, v3;
	v4 =	vand.u32 $0xFFFFFFC0, v58  }
0x296: {  	v3 =	vor.u32 v3, v4  }
0x297: {  	v4 =	vperm.xlane v3, v0;
	_ =	sdelay $0x1  }
0x298: {  	v4 =	vadd.s32 v1, v4;
	_ =	sdelay $0x4  }
0x299: {  	[tilespmem:s10], [sflag:$0x2] =	stream.indirect_vreg.gather [hbm4b:s2+s3], $0x80, v4, vm0, $0xb8;
	[tilespmem:$0x1E200] =	vst v63  }
0x29a: {  	s16 =	simm.s32 $0x10A00;
	v3 =	vperm.xlane v3, v2  }
0x29b: {  	[tilespmem:s16], [sflag:$0x2] =	stream.indirect_vreg.gather [hbm4b:s5+s3], $0x80, v4, vm0, $0xb8;
	[tilespmem:$0x1E200] =	vst v63  }
0x29c: {  	s17 =	simm.s32 $0x11200;
	v3 =	vadd.s32 v1, v3  }
0x29d: {  	[tilespmem:s17], [sflag:$0x2] =	stream.indirect_vreg.gather [hbm4b:s6+s3], $0x80, v4, vm0, $0xb8;
	[tilespmem:$0x1E200] =	vst v63  }
0x29e: {  	_ = 	snop  }
0x29f: {  	[tilespmem:s9], [sflag:$0x2] =	stream.indirect_vreg.gather [hbm4b:s7+s3], $0x80, v4, vm0, $0xb8;
	[tilespmem:$0x1E200] =	vst v63  }
0x2a0: {  	s18 =	simm.s32 $0x12200  }
0x2a1: {  	[tilespmem:s18], [sflag:$0x2] =	stream.indirect_vreg.gather [hbm4b:s2+s3], $0x80, v3, vm0, $0xb8;
	[tilespmem:$0x1E200] =	vst v63  }
0x2a2: {  	s19 =	simm.s32 $0x12A00  }
0x2a3: {  	[tilespmem:s19], [sflag:$0x2] =	stream.indirect_vreg.gather [hbm4b:s5+s3], $0x80, v3, vm0, $0xb8;
	[tilespmem:$0x1E200] =	vst v63  }
0x2a4: {  	s22 =	simm.s32 $0x13200  }
0x2a5: {  	[tilespmem:s22], [sflag:$0x2] =	stream.indirect_vreg.gather [hbm4b:s6+s3], $0x80, v3, vm0, $0xb8;
	[tilespmem:$0x1E200] =	vst v63  }
0x2a6: {  	s23 =	simm.s32 $0x13A00  }
0x2a7: {  	[tilespmem:s23], [sflag:$0x2] =	stream.indirect_vreg.gather [hbm4b:s7+s3], $0x80, v3, vm0, $0xb8;
	[tilespmem:$0x1E200] =	vst v63  }
0x2a8: {  	v3 =	vld [tilespmem:$0x1B8];
	_ =	sdelay $0x4  }
0x2a9: {  	v59 =	vshll.u32 v3, $0x3  }
0x2aa: {  	v3 =	vand.u32 $0x7, v3;
	v4 =	vand.u32 $0xFFFFFFC0, v59  }
0x2ab: {  	v3 =	vor.u32 v3, v4  }
0x2ac: {  	v4 =	vperm.xlane v3, v0;
	_ =	sdelay $0x1  }
0x2ad: {  	v4 =	vadd.s32 v1, v4;
	_ =	sdelay $0x3  }
0x2ae: {  	s24 =	simm.s32 $0x14200  }
0x2af: {  	[tilespmem:s24], [sflag:$0x2] =	stream.indirect_vreg.gather [hbm4b:s2+s3], $0x80, v4, vm0, $0xb8;
	[tilespmem:$0x1E200] =	vst v63  }
0x2b0: {  	s25 =	simm.s32 $0x14A00;
	v3 =	vperm.xlane v3, v2  }
0x2b1: {  	[tilespmem:s25], [sflag:$0x2] =	stream.indirect_vreg.gather [hbm4b:s5+s3], $0x80, v4, vm0, $0xb8;
	[tilespmem:$0x1E200] =	vst v63  }
0x2b2: {  	s9 =	simm.s32 $0x15200;
	v3 =	vadd.s32 v1, v3  }
0x2b3: {  	[tilespmem:s9], [sflag:$0x2] =	stream.indirect_vreg.gather [hbm4b:s6+s3], $0x80, v4, vm0, $0xb8;
	[tilespmem:$0x1E200] =	vst v63  }
0x2b4: {  	s11 =	simm.s32 $0x15A00  }
0x2b5: {  	[tilespmem:s11], [sflag:$0x2] =	stream.indirect_vreg.gather [hbm4b:s7+s3], $0x80, v4, vm0, $0xb8;
	[tilespmem:$0x1E200] =	vst v63  }
0x2b6: {  	s12 =	simm.s32 $0x16200  }
0x2b7: {  	[tilespmem:s12], [sflag:$0x2] =	stream.indirect_vreg.gather [hbm4b:s2+s3], $0x80, v3, vm0, $0xb8;
	[tilespmem:$0x1E200] =	vst v63  }
0x2b8: {  	s13 =	simm.s32 $0x16A00  }
0x2b9: {  	[tilespmem:s13], [sflag:$0x2] =	stream.indirect_vreg.gather [hbm4b:s5+s3], $0x80, v3, vm0, $0xb8;
	[tilespmem:$0x1E200] =	vst v63  }
0x2ba: {  	s14 =	simm.s32 $0x17200  }
0x2bb: {  	[tilespmem:s14], [sflag:$0x2] =	stream.indirect_vreg.gather [hbm4b:s6+s3], $0x80, v3, vm0, $0xb8;
	[tilespmem:$0x1E200] =	vst v63  }
0x2bc: {  	s15 =	simm.s32 $0x17A00  }
0x2bd: {  	[tilespmem:s15], [sflag:$0x2] =	stream.indirect_vreg.gather [hbm4b:s7+s3], $0x80, v3, vm0, $0xb8;
	[tilespmem:$0x1E200] =	vst v63  }
0x2be: {  	v3 =	vld [tilespmem:$0x1C8];
	_ =	sdelay $0x4  }
0x2bf: {  	v60 =	vshll.u32 v3, $0x3  }
0x2c0: {  	v3 =	vand.u32 $0x7, v3;
	v4 =	vand.u32 $0xFFFFFFC0, v60  }
0x2c1: {  	v3 =	vor.u32 v3, v4  }
0x2c2: {  	v4 =	vperm.xlane v3, v0;
	_ =	sdelay $0x1  }
0x2c3: {  	v4 =	vadd.s32 v1, v4;
	_ =	sdelay $0x3  }
0x2c4: {  	s16 =	simm.s32 $0x18200  }
0x2c5: {  	[tilespmem:s16], [sflag:$0x2] =	stream.indirect_vreg.gather [hbm4b:s2+s3], $0x80, v4, vm0, $0xb8;
	[tilespmem:$0x1E200] =	vst v63  }
0x2c6: {  	s17 =	simm.s32 $0x18A00;
	v3 =	vperm.xlane v3, v2  }
0x2c7: {  	[tilespmem:s17], [sflag:$0x2] =	stream.indirect_vreg.gather [hbm4b:s5+s3], $0x80, v4, vm0, $0xb8;
	[tilespmem:$0x1E200] =	vst v63  }
0x2c8: {  	s18 =	simm.s32 $0x19200;
	v3 =	vadd.s32 v1, v3  }
0x2c9: {  	[tilespmem:s18], [sflag:$0x2] =	stream.indirect_vreg.gather [hbm4b:s6+s3], $0x80, v4, vm0, $0xb8;
	[tilespmem:$0x1E200] =	vst v63  }
0x2ca: {  	s19 =	simm.s32 $0x19A00  }
0x2cb: {  	[tilespmem:s19], [sflag:$0x2] =	stream.indirect_vreg.gather [hbm4b:s7+s3], $0x80, v4, vm0, $0xb8;
	[tilespmem:$0x1E200] =	vst v63  }
0x2cc: {  	s22 =	simm.s32 $0x1A200  }
0x2cd: {  	[tilespmem:s22], [sflag:$0x2] =	stream.indirect_vreg.gather [hbm4b:s2+s3], $0x80, v3, vm0, $0xb8;
	[tilespmem:$0x1E200] =	vst v63  }
0x2ce: {  	s23 =	simm.s32 $0x1AA00  }
0x2cf: {  	[tilespmem:s23], [sflag:$0x2] =	stream.indirect_vreg.gather [hbm4b:s5+s3], $0x80, v3, vm0, $0xb8;
	[tilespmem:$0x1E200] =	vst v63  }
0x2d0: {  	s24 =	simm.s32 $0x1B200  }
0x2d1: {  	[tilespmem:s24], [sflag:$0x2] =	stream.indirect_vreg.gather [hbm4b:s6+s3], $0x80, v3, vm0, $0xb8;
	[tilespmem:$0x1E200] =	vst v63  }
0x2d2: {  	s25 =	simm.s32 $0x1BA00  }
0x2d3: {  	[tilespmem:s25], [sflag:$0x2] =	stream.indirect_vreg.gather [hbm4b:s7+s3], $0x80, v3, vm0, $0xb8;
	[tilespmem:$0x1E200] =	vst v63  }
0x2d4: {  	v3 =	vld.msk [tilespmem:$0x1D8], $0xff;
	_ =	sdelay $0x4  }
0x2d5: {  	v61 =	vshll.u32 v3, $0x3  }
0x2d6: {  	v3 =	vand.u32 $0x7, v3;
	v4 =	vand.u32 $0xFFFFFFC0, v61  }
0x2d7: {  	v3 =	vor.u32 v3, v4  }
0x2d8: {  	v3 =	vperm.xlane v3, v0;
	_ =	sdelay $0x1  }
0x2d9: {  	v3 =	vadd.s32 v1, v3;
	_ =	sdelay $0x3  }
0x2da: {  	s9 =	simm.s32 $0x1C200  }
0x2db: {  	[tilespmem:s9], [sflag:$0x2] =	stream.indirect_vreg.gather [hbm4b:s2+s3], $0x80, v3, vm0, $0xb8;
	[tilespmem:$0x1E200] =	vst v63  }
0x2dc: {  	s11 =	simm.s32 $0x1CA00  }
0x2dd: {  	[tilespmem:s11], [sflag:$0x2] =	stream.indirect_vreg.gather [hbm4b:s5+s3], $0x80, v3, vm0, $0xb8;
	[tilespmem:$0x1E200] =	vst v63  }
0x2de: {  	s12 =	simm.s32 $0x1D200  }
0x2df: {  	[tilespmem:s12], [sflag:$0x2] =	stream.indirect_vreg.gather [hbm4b:s6+s3], $0x80, v3, vm0, $0xb8;
	[tilespmem:$0x1E200] =	vst v63  }
0x2e0: {  	s13 =	simm.s32 $0x1DA00  }
0x2e1: {  	[tilespmem:s13], [sflag:$0x2] =	stream.indirect_vreg.gather [hbm4b:s7+s3], $0x80, v3, vm0, $0xb8;
	[tilespmem:$0x1E200] =	vst v63  }
0x2e2: {  	_ =	swait.ge [sflag:s4], $0x10000  }
0x2e3: {  	[sflag:s4] =	ssyncset.done $0x0  }
0x2e4: {  	s1 =	simm.s32 $0x200;
	s14 =	rddreg [dreg:$0xb];
	[sflag:s4] =	ssyncadd.s32 $0xFFFF0000  }
0x2e5: {  	[hbm4b:s14+s3] =	stream.linear.scatter [tilespmem:s1], [sflag:$0x3], $0x10000, $0x38;
	[tilespmem:$0x1E200] =	vst v63  }
0x2e6: {  	_ =	swait.ge [sflag:s28], $0x10000  }
0x2e7: {  	[sflag:s28] =	ssyncset.done $0x0  }
0x2e8: {  	[sflag:s28] =	ssyncadd.s32 $0xFFFF0000  }
0x2e9: {  	v3 =	vld [tilespmem:$0x1E0];
	_ =	sdelay $0x4  }
0x2ea: {  	v62 =	vshll.u32 v3, $0x3  }
0x2eb: {  	v3 =	vand.u32 $0x7, v3;
	v4 =	vand.u32 $0xFFFFFFC0, v62  }
0x2ec: {  	v3 =	vor.u32 v3, v4  }
0x2ed: {  	v4 =	vperm.xlane v3, v0;
	_ =	sdelay $0x1  }
0x2ee: {  	v4 =	vadd.s32 v1, v4;
	_ =	sdelay $0x4  }
0x2ef: {  	[tilespmem:s1], [sflag:$0x1] =	stream.indirect_vreg.gather [hbm4b:s2+s3], $0x80, v4, vm0, $0xb8;
	[tilespmem:$0x1E200] =	vst v63  }
0x2f0: {  	s15 =	simm.s32 $0xA00;
	v3 =	vperm.xlane v3, v2  }
0x2f1: {  	[tilespmem:s15], [sflag:$0x1] =	stream.indirect_vreg.gather [hbm4b:s5+s3], $0x80, v4, vm0, $0xb8;
	[tilespmem:$0x1E200] =	vst v63  }
0x2f2: {  	s20 =	simm.s32 $0x1200;
	v3 =	vadd.s32 v1, v3  }
0x2f3: {  	[tilespmem:s20], [sflag:$0x1] =	stream.indirect_vreg.gather [hbm4b:s6+s3], $0x80, v4, vm0, $0xb8;
	[tilespmem:$0x1E200] =	vst v63  }
0x2f4: {  	s31 =	simm.s32 $0x1A00  }
0x2f5: {  	[tilespmem:s31], [sflag:$0x1] =	stream.indirect_vreg.gather [hbm4b:s7+s3], $0x80, v4, vm0, $0xb8;
	[tilespmem:$0x1E200] =	vst v63  }
0x2f6: {  	s21 =	simm.s32 $0x2200  }
0x2f7: {  	[tilespmem:s21], [sflag:$0x1] =	stream.indirect_vreg.gather [hbm4b:s2+s3], $0x80, v3, vm0, $0xb8;
	[tilespmem:$0x1E200] =	vst v63  }
0x2f8: {  	s26 =	simm.s32 $0x2A00  }
0x2f9: {  	[tilespmem:s26], [sflag:$0x1] =	stream.indirect_vreg.gather [hbm4b:s5+s3], $0x80, v3, vm0, $0xb8;
	[tilespmem:$0x1E200] =	vst v63  }
0x2fa: {  	s16 =	simm.s32 $0x3200  }
0x2fb: {  	[tilespmem:s16], [sflag:$0x1] =	stream.indirect_vreg.gather [hbm4b:s6+s3], $0x80, v3, vm0, $0xb8;
	[tilespmem:$0x1E200] =	vst v63  }
0x2fc: {  	s17 =	simm.s32 $0x3A00  }
0x2fd: {  	[tilespmem:s17], [sflag:$0x1] =	stream.indirect_vreg.gather [hbm4b:s7+s3], $0x80, v3, vm0, $0xb8;
	[tilespmem:$0x1E200] =	vst v63  }
0x2fe: {  	v3 =	vld [tilespmem:$0x1F0];
	_ =	sdelay $0x4  }
0x2ff: {  	v63 =	vshll.u32 v3, $0x3  }
0x300: {  	v3 =	vand.u32 $0x7, v3;
	v4 =	vand.u32 $0xFFFFFFC0, v63  }
0x301: {  	v3 =	vor.u32 v3, v4  }
0x302: {  	v4 =	vperm.xlane v3, v0;
	_ =	sdelay $0x1  }
0x303: {  	v4 =	vadd.s32 v1, v4;
	_ =	sdelay $0x3  }
0x304: {  	s18 =	simm.s32 $0x4200  }
0x305: {  	[tilespmem:s18], [sflag:$0x1] =	stream.indirect_vreg.gather [hbm4b:s2+s3], $0x80, v4, vm0, $0xb8;
	[tilespmem:$0x1E200] =	vst v63  }
0x306: {  	s19 =	simm.s32 $0x4A00;
	v3 =	vperm.xlane v3, v2  }
0x307: {  	[tilespmem:s19], [sflag:$0x1] =	stream.indirect_vreg.gather [hbm4b:s5+s3], $0x80, v4, vm0, $0xb8;
	[tilespmem:$0x1E200] =	vst v63  }
0x308: {  	s20 =	simm.s32 $0x5200;
	v3 =	vadd.s32 v1, v3  }
0x309: {  	[tilespmem:s20], [sflag:$0x1] =	stream.indirect_vreg.gather [hbm4b:s6+s3], $0x80, v4, vm0, $0xb8;
	[tilespmem:$0x1E200] =	vst v63  }
0x30a: {  	s21 =	simm.s32 $0x5A00  }
0x30b: {  	[tilespmem:s21], [sflag:$0x1] =	stream.indirect_vreg.gather [hbm4b:s7+s3], $0x80, v4, vm0, $0xb8;
	[tilespmem:$0x1E200] =	vst v63  }
0x30c: {  	s22 =	simm.s32 $0x6200  }
0x30d: {  	[tilespmem:s22], [sflag:$0x1] =	stream.indirect_vreg.gather [hbm4b:s2+s3], $0x80, v3, vm0, $0xb8;
	[tilespmem:$0x1E200] =	vst v63  }
0x30e: {  	s23 =	simm.s32 $0x6A00  }
0x30f: {  	[tilespmem:s23], [sflag:$0x1] =	stream.indirect_vreg.gather [hbm4b:s5+s3], $0x80, v3, vm0, $0xb8;
	[tilespmem:$0x1E200] =	vst v63  }
0x310: {  	s24 =	simm.s32 $0x7200  }
0x311: {  	[tilespmem:s24], [sflag:$0x1] =	stream.indirect_vreg.gather [hbm4b:s6+s3], $0x80, v3, vm0, $0xb8;
	[tilespmem:$0x1E200] =	vst v63  }
0x312: {  	s25 =	simm.s32 $0x7A00  }
0x313: {  	[tilespmem:s25], [sflag:$0x1] =	stream.indirect_vreg.gather [hbm4b:s7+s3], $0x80, v3, vm0, $0xb8;
	[tilespmem:$0x1E200] =	vst v63  }
0x314: {  	_ =	swait.ge [sflag:s29], $0xE000  }
0x315: {  	[sflag:s29] =	ssyncset.done $0x0  }
0x316: {  	s26 =	rddreg [dreg:$0xc];
	[sflag:s29] =	ssyncadd.s32 $0xFFFF2000  }
0x317: {  	[hbm4b:s26+s3] =	stream.linear.scatter [tilespmem:s10], [sflag:$0x4], $0xE000, $0x38;
	[tilespmem:$0x1E200] =	vst v63  }
0x318: {  	_ =	swait.ge [sflag:s4], $0x8000  }
0x319: {  	[sflag:s4] =	ssyncset.done $0x0  }
0x31a: {  	s31 =	rddreg [dreg:$0xd];
	[sflag:s4] =	ssyncadd.s32 $0xFFFF8000  }
0x31b: {  	[hbm4b:s31+s3] =	stream.linear.scatter [tilespmem:s1], [sflag:$0x3], $0x8000, $0x38;
	[tilespmem:$0x1E200] =	vst v63  }
0x31c: {  	p0 =	sne.s32 s8, $0x1;
	_ =	swait.ge [sflag:s30], $0xE000  }
.Ltmp0:
0x31d: {  	[sflag:s30] =	ssyncset.done $0x0;
	(pc) =	sbr.rel @p0 .LBB2_1-.Ltmp0, $4  }
0x31e: {  	[sflag:s30] =	ssyncadd.s32 $0xFFFF2000  }
0x31f: {  	_ =	swait.ge [sflag:s28], $0x8000  }
0x320: {  	[sflag:s28] =	ssyncset.done $0x0  }
0x321: {  	s8 =	sadd.s32 $0xFFFFFFFF, s8;
	[sflag:s28] =	ssyncadd.s32 $0xFFFF8000  }
0x322: {  	_ =	sfence.sel $0x180000  }
0x323: {  	[bflag:$0x0] =	sbarrier.arrive $0xFFFF  }
0x324: {  	_ =	strace $0x90000047  }
0x325: {  	s0 =	stileid.u32;
	[bflag:$0x2] =	sbarrier.arrive $0xFFFF  }
0x326: {  	p0 =	sne.s32 s0, $0x0;
	s0 =	rddreg [dreg:$0x3]  }
0x327: {  	s0 =	sadd.s32 @!p0 $0x100000, s0  }
0x328: {  	[sflag:s0] =	ssyncadd.tile.s32 @!p0 $0x1;
	_ =	shalt  }
.Lfunc_end2:
_tile_overlayer_lowered:
.L_overlay_start_2:
0x329: {  	(tag) =	ssettag $0x2  }
0x32a: {  	s0 =	rddreg [dreg:$0x0];
	s2 =	stileid.u32  }
0x32b: {  	s1 =	rddreg [dreg:$0x1];
	p0 =	sne.s32 s2, $0x0  }
0x32c: {  	s3 =	rddreg [dreg:$0x2];
	[bflag:$0x3] =	sbarrier.arrive $0xFFFF;
	s2 =	simm.s32 @!p0 $0x1C05  }
0x32d: {  	[timem:s3], [sflag:s2] =	dma.local @!p0 [hbm:s0], s1  }
0x32e: {  	s0 =	simm.s32 @!p0 $0x5  }
0x32f: {  	_ =	swait.ge @!p0 [sflag:s0], s1  }
0x330: {  	s1 =	ssub.s32 @!p0 $0x0, s1;
	[sflag:s0] =	ssyncset.done @!p0 $0x0  }
0x331: {  	[sflag:s0] =	ssyncadd.s32 @!p0 s1  }
0x332: {  	[bflag:$0x3] =	sbarrier.arrive $0xFFFF  }
0x333: {  	_ =	shalt  }

</sc_bundles>
